<compile_context>
chip_gen: v7x
topology: tpu7x:2x2x1
jax: 0.10.2.dev20260603
libtpu: 0.0.44.dev20260713+nightly
codegen_flags: <defaults>
</compile_context>

<pallas_src>
import jax
import jax.numpy as jnp
from jax import lax
from jax.experimental import pallas as pl
from jax.experimental.pallas import tpu as pltpu
from jax.experimental.pallas import tpu_sc as plsc

N = 10000
E = 320000
D = 128

NC = 2
NS = 16
N_PAD = 10112
ROWS_PER_TILE = N_PAD // NS

CK = 128
CHUNKS = 2560
CH_PER_CORE = CHUNKS // NC
CH_PER_TILE = CH_PER_CORE // NS
CH_PHASE = CH_PER_TILE // 2



def _linear(x, W, b):
    def body(x_ref, w_ref, b_ref, o_ref):
        o_ref[...] = lax.dot_general(
            x_ref[...], w_ref[...], (((1,), (1,)), ((), ())),
            preferred_element_type=jnp.float32) + b_ref[...]

    return pl.pallas_call(
        body,
        grid=(10,),
        in_specs=[
            pl.BlockSpec((1000, D), lambda i: (i, 0)),
            pl.BlockSpec((D, D), lambda i: (0, 0)),
            pl.BlockSpec((1, D), lambda i: (0, 0)),
        ],
        out_specs=pl.BlockSpec((1000, D), lambda i: (i, 0)),
        out_shape=jax.ShapeDtypeStruct((N, D), jnp.float32),
    )(x, W, b)


def _combine_relu_linear(p, cnt, W, b):
    def body(p_ref, c_ref, w_ref, b_ref, o_ref):
        s = p_ref[0] + p_ref[1]
        c = c_ref[0] + c_ref[1]
        m = s / jnp.maximum(c[:, 0:1], 1.0)
        h = jnp.maximum(m, 0.0)
        o_ref[...] = lax.dot_general(
            h, w_ref[...], (((1,), (1,)), ((), ())),
            preferred_element_type=jnp.float32) + b_ref[...]

    return pl.pallas_call(
        body,
        out_shape=jax.ShapeDtypeStruct((N_PAD, D), jnp.float32),
    )(p, cnt, W, b)


def _combine_mean(p, cnt):
    def body(p_ref, c_ref, o_ref):
        s = p_ref[0] + p_ref[1]
        c = c_ref[0] + c_ref[1]
        o_ref[...] = s / jnp.maximum(c[:, 0:1], 1.0)

    return pl.pallas_call(
        body,
        out_shape=jax.ShapeDtypeStruct((N_PAD, D), jnp.float32),
    )(p, cnt)



def _make_agg():
    mesh = plsc.VectorSubcoreMesh(core_axis_name="c", subcore_axis_name="s")

    NBUF = 2

    scratch = [
        pltpu.VMEM((CH_PHASE, CK), jnp.int32),
        pltpu.VMEM((CH_PHASE, CK), jnp.int32),
        pltpu.VMEM_SHARED((N_PAD, D), jnp.float32),
    ] + [pltpu.VMEM((CK, D), jnp.float32) for _ in range(NBUF)] \
      + [pltpu.SemaphoreType.DMA for _ in range(2 * NBUF)]

    def body(h, srcc, dstc, z128, out_p, src_v, dst_v, acc_sh, *bufs):
        rows = bufs[:NBUF]
        sems = bufs[NBUF:2 * NBUF]
        ssems = bufs[2 * NBUF:]
        c = lax.axis_index("c")
        s = lax.axis_index("s")
        row_lo = s * ROWS_PER_TILE

        pltpu.sync_copy(z128, acc_sh.at[pl.ds(row_lo, ROWS_PER_TILE)])
        plsc.subcore_barrier()

        wid = c * NS + s
        for phase in range(2):
            pltpu.sync_copy(srcc.at[wid, pl.ds(phase * CH_PHASE, CH_PHASE)],
                            src_v)
            pltpu.sync_copy(dstc.at[wid, pl.ds(phase * CH_PHASE, CH_PHASE)],
                            dst_v)

            for b in range(NBUF):
                pltpu.async_copy(h.at[src_v.at[b]], rows[b], sems[b])

            def step(t, carry):
                for b in range(NBUF):
                    j = t * NBUF + b
                    pltpu.make_async_copy(h.at[src_v.at[j]], rows[b],
                                          sems[b]).wait()
                    pltpu.async_copy(rows[b], acc_sh.at[dst_v.at[j]],
                                     ssems[b], add=True)
                    nj = j + NBUF

                    @pl.when(nj < CH_PHASE)
                    def _():
                        pltpu.make_async_copy(
                            rows[b], acc_sh.at[dst_v.at[j]], ssems[b]).wait()
                        pltpu.async_copy(h.at[src_v.at[nj]], rows[b], sems[b])
                return carry

            lax.fori_loop(0, CH_PHASE // NBUF, step, 0)

            for b in range(NBUF):
                j = CH_PHASE - NBUF + b
                pltpu.make_async_copy(rows[b], acc_sh.at[dst_v.at[j]],
                                      ssems[b]).wait()

        plsc.subcore_barrier()

        pltpu.sync_copy(acc_sh.at[pl.ds(row_lo, ROWS_PER_TILE)],
                        out_p.at[c, pl.ds(row_lo, ROWS_PER_TILE)])

    return pl.kernel(
        body,
        mesh=mesh,
        out_type=jax.ShapeDtypeStruct((NC, N_PAD, D), jnp.float32),
        scratch_types=scratch,
    )


CW = D


def _make_count():
    mesh = plsc.VectorSubcoreMesh(core_axis_name="c", subcore_axis_name="s")

    scratch = [
        pltpu.VMEM((CH_PER_TILE, CK), jnp.int32),
        pltpu.VMEM((CK, CW), jnp.float32),
        pltpu.VMEM_SHARED((N_PAD, CW), jnp.float32),
    ]

    def body(dstc, zc, ones, out_c, dst_v, ones_v, cnt_sh):
        c = lax.axis_index("c")
        s = lax.axis_index("s")
        row_lo = s * ROWS_PER_TILE

        pltpu.sync_copy(zc, cnt_sh.at[pl.ds(row_lo, ROWS_PER_TILE)])
        pltpu.sync_copy(ones, ones_v)
        pltpu.sync_copy(dstc.at[c * NS + s], dst_v)

        plsc.subcore_barrier()

        def step(j, carry):
            pltpu.sync_copy(ones_v, cnt_sh.at[dst_v.at[j]], add=True)
            return carry

        lax.fori_loop(0, CH_PER_TILE, step, 0)

        plsc.subcore_barrier()

        pltpu.sync_copy(cnt_sh.at[pl.ds(row_lo, ROWS_PER_TILE)],
                        out_c.at[c, pl.ds(row_lo, ROWS_PER_TILE)])

    return pl.kernel(
        body,
        mesh=mesh,
        out_type=jax.ShapeDtypeStruct((NC, N_PAD, CW), jnp.float32),
        scratch_types=scratch,
    )



def kernel(x, edge_index, W1, b1, W2, b2):
    src = edge_index[0].astype(jnp.int32)
    dst = edge_index[1].astype(jnp.int32)
    pad = CHUNKS * CK - E
    pad_i = jnp.arange(pad, dtype=jnp.int32)
    src2 = jnp.concatenate([src, pad_i % N]).reshape(
        NC * NS, CH_PER_TILE, CK)
    dst2 = jnp.concatenate([dst, N + pad_i % (N_PAD - N)]).reshape(
        NC * NS, CH_PER_TILE, CK)

    z128 = jnp.zeros((ROWS_PER_TILE, D), jnp.float32)
    zc = jnp.zeros((ROWS_PER_TILE, CW), jnp.float32)
    ones = jnp.ones((CK, CW), jnp.float32)

    b1r = b1.reshape(1, D)
    b2r = b2.reshape(1, D)

    cnt = _make_count()(dst2, zc, ones)
    h1 = _linear(x, W1, b1r)
    p1 = _make_agg()(h1, src2, dst2, z128)
    h2 = _combine_relu_linear(p1, cnt, W2, b2r)
    p2 = _make_agg()(h2, src2, dst2, z128)
    out = _combine_mean(p2, cnt)
    return out[:N]

# --- scband reference (transcript-rebuilt; emitter-appended) ---
"""Pipeline reference for scband-gnnmodel-71193377899389 (READ-ONLY COPY).

The authoritative reference and input builder live on the scoring server;
editing this copy changes nothing except your own understanding.
"""

import jax, jax.numpy as jnp
import numpy as np

N_NODES = 10000
N_EDGES = 320000
D_IN = 128
D_HID = 128
D_OUT = 128


def setup_inputs(seed: int = 0) -> dict:
    key = jax.random.key(seed)
    k_x, k_ei, k_w1, k_b1, k_w2, k_b2 = jax.random.split(key, 6)
    x = jax.random.normal(k_x, (N_NODES, D_IN), dtype=jnp.float32)
    edge_index = jax.random.randint(k_ei, (2, N_EDGES), 0, N_NODES, dtype=jnp.int64)
    # nn.Linear params: W [out, in], b [out]; kaiming-uniform-ish init
    lim1 = 1.0 / np.sqrt(D_IN)
    W1 = jax.random.uniform(k_w1, (D_HID, D_IN), minval=-lim1, maxval=lim1, dtype=jnp.float32)
    b1 = jax.random.uniform(k_b1, (D_HID,), minval=-lim1, maxval=lim1, dtype=jnp.float32)
    lim2 = 1.0 / np.sqrt(D_HID)
    W2 = jax.random.uniform(k_w2, (D_OUT, D_HID), minval=-lim2, maxval=lim2, dtype=jnp.float32)
    b2 = jax.random.uniform(k_b2, (D_OUT,), minval=-lim2, maxval=lim2, dtype=jnp.float32)
    return {"x": x, "edge_index": edge_index, "W1": W1, "b1": b1, "W2": W2, "b2": b2}


def _gnn_layer(x, edge_index, W, b):
    # lin first, then mean-aggregate messages x_j (source features) at dst nodes
    h = x @ W.T + b
    src = edge_index[0]
    dst = edge_index[1]
    msg = jnp.take(h, src, axis=0)                      # gather (SparseCore)
    summed = jax.ops.segment_sum(msg, dst, num_segments=N_NODES)   # scatter-add
    cnt = jax.ops.segment_sum(jnp.ones((msg.shape[0],), dtype=h.dtype), dst, num_segments=N_NODES)
    # PyG 'mean' aggr yields 0 for nodes with no incoming edges
    return summed / jnp.maximum(cnt, 1.0)[:, None]


def reference(x, edge_index, W1, b1, W2, b2):
    h = _gnn_layer(x, edge_index, W1, b1)
    h = jax.nn.relu(h)
    out = _gnn_layer(h, edge_index, W2, b2)
    return out

if __name__ == "__main__":
    import jax
    _d = setup_inputs()
    print(jax.jit(kernel)(*tuple(_d.values())))

</pallas_src>

<mosaic_0001>
#map = affine_map<(d0, d1) -> (0, 0)>
#map1 = affine_map<(d0, d1) -> (0, 0, 0)>
module attributes {stable_mosaic.version = 14 : i64} {
  func.func @body(%arg0: i32, %arg1: i32, %arg2: memref<10000x128xf32, #tpu.memory_space<hbm>>, %arg3: memref<32x80x128xi32, #tpu.memory_space<hbm>>, %arg4: memref<32x80x128xi32, #tpu.memory_space<hbm>>, %arg5: memref<632x128xf32, #tpu.memory_space<hbm>>, %arg6: memref<2x10112x128xf32, #tpu.memory_space<hbm>>, %arg7: memref<40x128xi32, #tpu.memory_space<vmem>>, %arg8: memref<40x128xi32, #tpu.memory_space<vmem>>, %arg9: memref<10112x128xf32, #tpu.memory_space<vmem_shared>>, %arg10: memref<128x128xf32, #tpu.memory_space<vmem>>, %arg11: memref<128x128xf32, #tpu.memory_space<vmem>>, %arg12: memref<!tpu.dma_semaphore, #tpu.memory_space<semaphore_mem>>, %arg13: memref<!tpu.dma_semaphore, #tpu.memory_space<semaphore_mem>>, %arg14: memref<!tpu.dma_semaphore, #tpu.memory_space<semaphore_mem>>, %arg15: memref<!tpu.dma_semaphore, #tpu.memory_space<semaphore_mem>>) attributes {dimension_semantics = [#tpu.dimension_semantics<core_parallel>, #tpu.dimension_semantics<subcore_parallel>], iteration_bounds = array<i64: 2, 16>, scalar_prefetch = 0 : i64, scratch_operands = 9 : i64, tpu.core_type = #tpu.core_type<sc_vector_subcore>, window_params = [{transform_indices = #map}, {transform_indices = #map1}, {transform_indices = #map1}, {transform_indices = #map}, {transform_indices = #map1}]} {
    %mul3A = arith.constant 632 : i32
    %mul3A_0 = arith.muli %arg1, %mul3A : i32
    "tpu.region"() ({
      %run_scoped3A = tpu.sem_alloc : memref<!tpu.dma_semaphore, #tpu.memory_space<semaphore_mem>>
      %dma_start3A_69 = arith.constant 0 : i32
      %dma_start3A_70 = tpu.memref_slice %arg9[%mul3A_0, %dma_start3A_69] : memref<10112x128xf32, #tpu.memory_space<vmem_shared>> -> memref<632x128xf32, #tpu.memory_space<vmem_shared>>
      tpu.enqueue_dma source(%arg5 : memref<632x128xf32, #tpu.memory_space<hbm>>) target(%dma_start3A_70 : memref<632x128xf32, #tpu.memory_space<vmem_shared>>) target_semaphore(%run_scoped3A : memref<!tpu.dma_semaphore, #tpu.memory_space<semaphore_mem>>)
      %dma_wait3A_71 = arith.constant 0 : i32
      %dma_wait3A_72 = tpu.memref_slice %arg9[%mul3A_0, %dma_wait3A_71] : memref<10112x128xf32, #tpu.memory_space<vmem_shared>> -> memref<632x128xf32, #tpu.memory_space<vmem_shared>>
      tpu.wait_dma2 semaphore(%run_scoped3A : memref<!tpu.dma_semaphore, #tpu.memory_space<semaphore_mem>>) src(%arg5 : memref<632x128xf32, #tpu.memory_space<hbm>>) dst(%dma_wait3A_72 : memref<632x128xf32, #tpu.memory_space<vmem_shared>>)
      tpu.yield
    }) : () -> ()
    %barrier3A = arith.constant 0 : index
    tpu.barrier barrier_id(%barrier3A)
    %mul3A_1 = arith.constant 16 : i32
    %mul3A_2 = arith.muli %arg0, %mul3A_1 : i32
    %add3A = arith.addi %mul3A_2, %arg1 : i32
    "tpu.region"() ({
      %run_scoped3A = tpu.sem_alloc : memref<!tpu.dma_semaphore, #tpu.memory_space<semaphore_mem>>
      %dma_start3A_69 = arith.constant 0 : i32
      %dma_start3A_70 = arith.constant 0 : i32
      %dma_start3A_71 = tpu.memref_slice %arg3[%add3A, %dma_start3A_69, %dma_start3A_70] : memref<32x80x128xi32, #tpu.memory_space<hbm>> -> memref<1x40x128xi32, #tpu.memory_space<hbm>>
      %dma_start3A_72 = tpu.memref_squeeze %dma_start3A_71 : memref<1x40x128xi32, #tpu.memory_space<hbm>> -> memref<40x128xi32, #tpu.memory_space<hbm>>
      %dma_start3A_73 = arith.constant 0 : i32
      %dma_start3A_74 = arith.constant 0 : i32
      %dma_start3A_75 = tpu.memref_slice %arg3[%add3A, %dma_start3A_73, %dma_start3A_74] : memref<32x80x128xi32, #tpu.memory_space<hbm>> -> memref<1x40x128xi32, #tpu.memory_space<hbm>>
      %dma_start3A_76 = tpu.memref_squeeze %dma_start3A_75 : memref<1x40x128xi32, #tpu.memory_space<hbm>> -> memref<40x128xi32, #tpu.memory_space<hbm>>
      tpu.enqueue_dma source(%dma_start3A_76 : memref<40x128xi32, #tpu.memory_space<hbm>>) target(%arg7 : memref<40x128xi32, #tpu.memory_space<vmem>>) target_semaphore(%run_scoped3A : memref<!tpu.dma_semaphore, #tpu.memory_space<semaphore_mem>>)
      %dma_wait3A_77 = arith.constant 0 : i32
      %dma_wait3A_78 = arith.constant 0 : i32
      %dma_wait3A_79 = tpu.memref_slice %arg3[%add3A, %dma_wait3A_77, %dma_wait3A_78] : memref<32x80x128xi32, #tpu.memory_space<hbm>> -> memref<1x40x128xi32, #tpu.memory_space<hbm>>
      %dma_wait3A_80 = tpu.memref_squeeze %dma_wait3A_79 : memref<1x40x128xi32, #tpu.memory_space<hbm>> -> memref<40x128xi32, #tpu.memory_space<hbm>>
      %dma_wait3A_81 = arith.constant 0 : i32
      %dma_wait3A_82 = arith.constant 0 : i32
      %dma_wait3A_83 = tpu.memref_slice %arg3[%add3A, %dma_wait3A_81, %dma_wait3A_82] : memref<32x80x128xi32, #tpu.memory_space<hbm>> -> memref<1x40x128xi32, #tpu.memory_space<hbm>>
      %dma_wait3A_84 = tpu.memref_squeeze %dma_wait3A_83 : memref<1x40x128xi32, #tpu.memory_space<hbm>> -> memref<40x128xi32, #tpu.memory_space<hbm>>
      tpu.wait_dma2 semaphore(%run_scoped3A : memref<!tpu.dma_semaphore, #tpu.memory_space<semaphore_mem>>) src(%dma_wait3A_84 : memref<40x128xi32, #tpu.memory_space<hbm>>) dst(%arg7 : memref<40x128xi32, #tpu.memory_space<vmem>>)
      tpu.yield
    }) : () -> ()
    "tpu.region"() ({
      %run_scoped3A = tpu.sem_alloc : memref<!tpu.dma_semaphore, #tpu.memory_space<semaphore_mem>>
      %dma_start3A_69 = arith.constant 0 : i32
      %dma_start3A_70 = arith.constant 0 : i32
      %dma_start3A_71 = tpu.memref_slice %arg4[%add3A, %dma_start3A_69, %dma_start3A_70] : memref<32x80x128xi32, #tpu.memory_space<hbm>> -> memref<1x40x128xi32, #tpu.memory_space<hbm>>
      %dma_start3A_72 = tpu.memref_squeeze %dma_start3A_71 : memref<1x40x128xi32, #tpu.memory_space<hbm>> -> memref<40x128xi32, #tpu.memory_space<hbm>>
      %dma_start3A_73 = arith.constant 0 : i32
      %dma_start3A_74 = arith.constant 0 : i32
      %dma_start3A_75 = tpu.memref_slice %arg4[%add3A, %dma_start3A_73, %dma_start3A_74] : memref<32x80x128xi32, #tpu.memory_space<hbm>> -> memref<1x40x128xi32, #tpu.memory_space<hbm>>
      %dma_start3A_76 = tpu.memref_squeeze %dma_start3A_75 : memref<1x40x128xi32, #tpu.memory_space<hbm>> -> memref<40x128xi32, #tpu.memory_space<hbm>>
      tpu.enqueue_dma source(%dma_start3A_76 : memref<40x128xi32, #tpu.memory_space<hbm>>) target(%arg8 : memref<40x128xi32, #tpu.memory_space<vmem>>) target_semaphore(%run_scoped3A : memref<!tpu.dma_semaphore, #tpu.memory_space<semaphore_mem>>)
      %dma_wait3A_77 = arith.constant 0 : i32
      %dma_wait3A_78 = arith.constant 0 : i32
      %dma_wait3A_79 = tpu.memref_slice %arg4[%add3A, %dma_wait3A_77, %dma_wait3A_78] : memref<32x80x128xi32, #tpu.memory_space<hbm>> -> memref<1x40x128xi32, #tpu.memory_space<hbm>>
      %dma_wait3A_80 = tpu.memref_squeeze %dma_wait3A_79 : memref<1x40x128xi32, #tpu.memory_space<hbm>> -> memref<40x128xi32, #tpu.memory_space<hbm>>
      %dma_wait3A_81 = arith.constant 0 : i32
      %dma_wait3A_82 = arith.constant 0 : i32
      %dma_wait3A_83 = tpu.memref_slice %arg4[%add3A, %dma_wait3A_81, %dma_wait3A_82] : memref<32x80x128xi32, #tpu.memory_space<hbm>> -> memref<1x40x128xi32, #tpu.memory_space<hbm>>
      %dma_wait3A_84 = tpu.memref_squeeze %dma_wait3A_83 : memref<1x40x128xi32, #tpu.memory_space<hbm>> -> memref<40x128xi32, #tpu.memory_space<hbm>>
      tpu.wait_dma2 semaphore(%run_scoped3A : memref<!tpu.dma_semaphore, #tpu.memory_space<semaphore_mem>>) src(%dma_wait3A_84 : memref<40x128xi32, #tpu.memory_space<hbm>>) dst(%arg8 : memref<40x128xi32, #tpu.memory_space<vmem>>)
      tpu.yield
    }) : () -> ()
    %dma_start3A = arith.constant 0 : i32
    %dma_start3A_3 = arith.constant 0 : i32
    %dma_start3A_4 = tpu.memref_slice %arg7[%dma_start3A, %dma_start3A_3] : memref<40x128xi32, #tpu.memory_space<vmem>> -> memref<1x128xi32, #tpu.memory_space<vmem>>
    %dma_start3A_5 = tpu.memref_squeeze %dma_start3A_4 : memref<1x128xi32, #tpu.memory_space<vmem>> -> memref<128xi32, #tpu.memory_space<vmem>>
    %dma_start3A_6 = arith.constant 0 : i32
    %dma_start3A_7 = arith.constant 0 : i32
    %dma_start3A_8 = tpu.memref_slice %arg2[%dma_start3A_6, %dma_start3A_7] : memref<10000x128xf32, #tpu.memory_space<hbm>> -> memref<10000x128xf32, #tpu.memory_space<hbm>>
    tpu.enqueue_indirect_dma source(%dma_start3A_8 : memref<10000x128xf32, #tpu.memory_space<hbm>>) target(%arg10 : memref<128x128xf32, #tpu.memory_space<vmem>>) offsets(%dma_start3A_5 : memref<128xi32, #tpu.memory_space<vmem>>) semaphore(%arg12 : memref<!tpu.dma_semaphore, #tpu.memory_space<semaphore_mem>>)
    %dma_start3A_9 = arith.constant 1 : i32
    %dma_start3A_10 = arith.constant 0 : i32
    %dma_start3A_11 = tpu.memref_slice %arg7[%dma_start3A_9, %dma_start3A_10] : memref<40x128xi32, #tpu.memory_space<vmem>> -> memref<1x128xi32, #tpu.memory_space<vmem>>
    %dma_start3A_12 = tpu.memref_squeeze %dma_start3A_11 : memref<1x128xi32, #tpu.memory_space<vmem>> -> memref<128xi32, #tpu.memory_space<vmem>>
    %dma_start3A_13 = arith.constant 0 : i32
    %dma_start3A_14 = arith.constant 0 : i32
    %dma_start3A_15 = tpu.memref_slice %arg2[%dma_start3A_13, %dma_start3A_14] : memref<10000x128xf32, #tpu.memory_space<hbm>> -> memref<10000x128xf32, #tpu.memory_space<hbm>>
    tpu.enqueue_indirect_dma source(%dma_start3A_15 : memref<10000x128xf32, #tpu.memory_space<hbm>>) target(%arg11 : memref<128x128xf32, #tpu.memory_space<vmem>>) offsets(%dma_start3A_12 : memref<128xi32, #tpu.memory_space<vmem>>) semaphore(%arg13 : memref<!tpu.dma_semaphore, #tpu.memory_space<semaphore_mem>>)
    %scan3A = arith.constant 0 : i32
    %scan3A_16 = arith.constant 0 : i32
    %scan3A_17 = arith.constant 20 : i32
    %scan3A_18 = arith.addi %scan3A_16, %scan3A_17 : i32
    %scan3A_19 = arith.constant 1 : i32
    scf.for %scan3A_69 = %scan3A_16 to %scan3A_18 step %scan3A_19  : i32 {
      %mul3A_70 = arith.constant 2 : i32
      %mul3A_71 = arith.muli %scan3A_69, %mul3A_70 : i32
      %add3A_72 = arith.constant 0 : i32
      %add3A_73 = arith.addi %mul3A_71, %add3A_72 : i32
      %dma_wait3A_74 = arith.constant 0 : i32
      %dma_wait3A_75 = tpu.memref_slice %arg7[%add3A_73, %dma_wait3A_74] : memref<40x128xi32, #tpu.memory_space<vmem>> -> memref<1x128xi32, #tpu.memory_space<vmem>>
      %dma_wait3A_76 = tpu.memref_squeeze %dma_wait3A_75 : memref<1x128xi32, #tpu.memory_space<vmem>> -> memref<128xi32, #tpu.memory_space<vmem>>
      %dma_wait3A_77 = arith.constant 0 : i32
      %dma_wait3A_78 = arith.constant 0 : i32
      %dma_wait3A_79 = tpu.memref_slice %arg2[%dma_wait3A_77, %dma_wait3A_78] : memref<10000x128xf32, #tpu.memory_space<hbm>> -> memref<10000x128xf32, #tpu.memory_space<hbm>>
      tpu.wait_indirect_dma semaphore(%arg12 : memref<!tpu.dma_semaphore, #tpu.memory_space<semaphore_mem>>) src(%dma_wait3A_79 : memref<10000x128xf32, #tpu.memory_space<hbm>>) dst(%arg10 : memref<128x128xf32, #tpu.memory_space<vmem>>)
      %dma_start3A_80 = arith.constant 0 : i32
      %dma_start3A_81 = tpu.memref_slice %arg8[%add3A_73, %dma_start3A_80] : memref<40x128xi32, #tpu.memory_space<vmem>> -> memref<1x128xi32, #tpu.memory_space<vmem>>
      %dma_start3A_82 = tpu.memref_squeeze %dma_start3A_81 : memref<1x128xi32, #tpu.memory_space<vmem>> -> memref<128xi32, #tpu.memory_space<vmem>>
      %dma_start3A_83 = arith.constant 0 : i32
      %dma_start3A_84 = arith.constant 0 : i32
      %dma_start3A_85 = tpu.memref_slice %arg9[%dma_start3A_83, %dma_start3A_84] : memref<10112x128xf32, #tpu.memory_space<vmem_shared>> -> memref<10112x128xf32, #tpu.memory_space<vmem_shared>>
      tpu.enqueue_indirect_dma source(%arg10 : memref<128x128xf32, #tpu.memory_space<vmem>>) target(%dma_start3A_85 : memref<10112x128xf32, #tpu.memory_space<vmem_shared>>) offsets(%dma_start3A_82 : memref<128xi32, #tpu.memory_space<vmem>>) semaphore(%arg14 : memref<!tpu.dma_semaphore, #tpu.memory_space<semaphore_mem>>) {add = true}
      %add3A_86 = arith.constant 2 : i32
      %add3A_87 = arith.addi %add3A_73, %add3A_86 : i32
      %lt3A = arith.constant 40 : i32
      %lt3A_88 = arith.cmpi slt, %add3A_87, %lt3A : i32
      %convert_element_type3A = arith.extui %lt3A_88 : i1 to i32
      %cond3A = arith.constant 0 : i32
      %cond3A_89 = arith.cmpi ne, %convert_element_type3A, %cond3A : i32
      scf.if %cond3A_89 {
        %dma_wait3A_113 = arith.constant 0 : i32
        %dma_wait3A_114 = tpu.memref_slice %arg8[%add3A_73, %dma_wait3A_113] : memref<40x128xi32, #tpu.memory_space<vmem>> -> memref<1x128xi32, #tpu.memory_space<vmem>>
        %dma_wait3A_115 = tpu.memref_squeeze %dma_wait3A_114 : memref<1x128xi32, #tpu.memory_space<vmem>> -> memref<128xi32, #tpu.memory_space<vmem>>
        %dma_wait3A_116 = arith.constant 0 : i32
        %dma_wait3A_117 = arith.constant 0 : i32
        %dma_wait3A_118 = tpu.memref_slice %arg9[%dma_wait3A_116, %dma_wait3A_117] : memref<10112x128xf32, #tpu.memory_space<vmem_shared>> -> memref<10112x128xf32, #tpu.memory_space<vmem_shared>>
        tpu.wait_indirect_dma semaphore(%arg14 : memref<!tpu.dma_semaphore, #tpu.memory_space<semaphore_mem>>) src(%arg10 : memref<128x128xf32, #tpu.memory_space<vmem>>) dst(%dma_wait3A_118 : memref<10112x128xf32, #tpu.memory_space<vmem_shared>>)
        %dma_start3A_119 = arith.constant 0 : i32
        %dma_start3A_120 = tpu.memref_slice %arg7[%add3A_87, %dma_start3A_119] : memref<40x128xi32, #tpu.memory_space<vmem>> -> memref<1x128xi32, #tpu.memory_space<vmem>>
        %dma_start3A_121 = tpu.memref_squeeze %dma_start3A_120 : memref<1x128xi32, #tpu.memory_space<vmem>> -> memref<128xi32, #tpu.memory_space<vmem>>
        %dma_start3A_122 = arith.constant 0 : i32
        %dma_start3A_123 = arith.constant 0 : i32
        %dma_start3A_124 = tpu.memref_slice %arg2[%dma_start3A_122, %dma_start3A_123] : memref<10000x128xf32, #tpu.memory_space<hbm>> -> memref<10000x128xf32, #tpu.memory_space<hbm>>
        tpu.enqueue_indirect_dma source(%dma_start3A_124 : memref<10000x128xf32, #tpu.memory_space<hbm>>) target(%arg10 : memref<128x128xf32, #tpu.memory_space<vmem>>) offsets(%dma_start3A_121 : memref<128xi32, #tpu.memory_space<vmem>>) semaphore(%arg12 : memref<!tpu.dma_semaphore, #tpu.memory_space<semaphore_mem>>)
      } else {
      }
      %mul3A_90 = arith.constant 2 : i32
      %mul3A_91 = arith.muli %scan3A_69, %mul3A_90 : i32
      %add3A_92 = arith.constant 1 : i32
      %add3A_93 = arith.addi %mul3A_91, %add3A_92 : i32
      %dma_wait3A_94 = arith.constant 0 : i32
      %dma_wait3A_95 = tpu.memref_slice %arg7[%add3A_93, %dma_wait3A_94] : memref<40x128xi32, #tpu.memory_space<vmem>> -> memref<1x128xi32, #tpu.memory_space<vmem>>
      %dma_wait3A_96 = tpu.memref_squeeze %dma_wait3A_95 : memref<1x128xi32, #tpu.memory_space<vmem>> -> memref<128xi32, #tpu.memory_space<vmem>>
      %dma_wait3A_97 = arith.constant 0 : i32
      %dma_wait3A_98 = arith.constant 0 : i32
      %dma_wait3A_99 = tpu.memref_slice %arg2[%dma_wait3A_97, %dma_wait3A_98] : memref<10000x128xf32, #tpu.memory_space<hbm>> -> memref<10000x128xf32, #tpu.memory_space<hbm>>
      tpu.wait_indirect_dma semaphore(%arg13 : memref<!tpu.dma_semaphore, #tpu.memory_space<semaphore_mem>>) src(%dma_wait3A_99 : memref<10000x128xf32, #tpu.memory_space<hbm>>) dst(%arg11 : memref<128x128xf32, #tpu.memory_space<vmem>>)
      %dma_start3A_100 = arith.constant 0 : i32
      %dma_start3A_101 = tpu.memref_slice %arg8[%add3A_93, %dma_start3A_100] : memref<40x128xi32, #tpu.memory_space<vmem>> -> memref<1x128xi32, #tpu.memory_space<vmem>>
      %dma_start3A_102 = tpu.memref_squeeze %dma_start3A_101 : memref<1x128xi32, #tpu.memory_space<vmem>> -> memref<128xi32, #tpu.memory_space<vmem>>
      %dma_start3A_103 = arith.constant 0 : i32
      %dma_start3A_104 = arith.constant 0 : i32
      %dma_start3A_105 = tpu.memref_slice %arg9[%dma_start3A_103, %dma_start3A_104] : memref<10112x128xf32, #tpu.memory_space<vmem_shared>> -> memref<10112x128xf32, #tpu.memory_space<vmem_shared>>
      tpu.enqueue_indirect_dma source(%arg11 : memref<128x128xf32, #tpu.memory_space<vmem>>) target(%dma_start3A_105 : memref<10112x128xf32, #tpu.memory_space<vmem_shared>>) offsets(%dma_start3A_102 : memref<128xi32, #tpu.memory_space<vmem>>) semaphore(%arg15 : memref<!tpu.dma_semaphore, #tpu.memory_space<semaphore_mem>>) {add = true}
      %add3A_106 = arith.constant 2 : i32
      %add3A_107 = arith.addi %add3A_93, %add3A_106 : i32
      %lt3A_108 = arith.constant 40 : i32
      %lt3A_109 = arith.cmpi slt, %add3A_107, %lt3A_108 : i32
      %convert_element_type3A_110 = arith.extui %lt3A_109 : i1 to i32
      %cond3A_111 = arith.constant 0 : i32
      %cond3A_112 = arith.cmpi ne, %convert_element_type3A_110, %cond3A_111 : i32
      scf.if %cond3A_112 {
        %dma_wait3A_113 = arith.constant 0 : i32
        %dma_wait3A_114 = tpu.memref_slice %arg8[%add3A_93, %dma_wait3A_113] : memref<40x128xi32, #tpu.memory_space<vmem>> -> memref<1x128xi32, #tpu.memory_space<vmem>>
        %dma_wait3A_115 = tpu.memref_squeeze %dma_wait3A_114 : memref<1x128xi32, #tpu.memory_space<vmem>> -> memref<128xi32, #tpu.memory_space<vmem>>
        %dma_wait3A_116 = arith.constant 0 : i32
        %dma_wait3A_117 = arith.constant 0 : i32
        %dma_wait3A_118 = tpu.memref_slice %arg9[%dma_wait3A_116, %dma_wait3A_117] : memref<10112x128xf32, #tpu.memory_space<vmem_shared>> -> memref<10112x128xf32, #tpu.memory_space<vmem_shared>>
        tpu.wait_indirect_dma semaphore(%arg15 : memref<!tpu.dma_semaphore, #tpu.memory_space<semaphore_mem>>) src(%arg11 : memref<128x128xf32, #tpu.memory_space<vmem>>) dst(%dma_wait3A_118 : memref<10112x128xf32, #tpu.memory_space<vmem_shared>>)
        %dma_start3A_119 = arith.constant 0 : i32
        %dma_start3A_120 = tpu.memref_slice %arg7[%add3A_107, %dma_start3A_119] : memref<40x128xi32, #tpu.memory_space<vmem>> -> memref<1x128xi32, #tpu.memory_space<vmem>>
        %dma_start3A_121 = tpu.memref_squeeze %dma_start3A_120 : memref<1x128xi32, #tpu.memory_space<vmem>> -> memref<128xi32, #tpu.memory_space<vmem>>
        %dma_start3A_122 = arith.constant 0 : i32
        %dma_start3A_123 = arith.constant 0 : i32
        %dma_start3A_124 = tpu.memref_slice %arg2[%dma_start3A_122, %dma_start3A_123] : memref<10000x128xf32, #tpu.memory_space<hbm>> -> memref<10000x128xf32, #tpu.memory_space<hbm>>
        tpu.enqueue_indirect_dma source(%dma_start3A_124 : memref<10000x128xf32, #tpu.memory_space<hbm>>) target(%arg11 : memref<128x128xf32, #tpu.memory_space<vmem>>) offsets(%dma_start3A_121 : memref<128xi32, #tpu.memory_space<vmem>>) semaphore(%arg13 : memref<!tpu.dma_semaphore, #tpu.memory_space<semaphore_mem>>)
      } else {
      }
    }
    %scan3A_20 = arith.constant 20 : i32
    %dma_wait3A = arith.constant 38 : i32
    %dma_wait3A_21 = arith.constant 0 : i32
    %dma_wait3A_22 = tpu.memref_slice %arg8[%dma_wait3A, %dma_wait3A_21] : memref<40x128xi32, #tpu.memory_space<vmem>> -> memref<1x128xi32, #tpu.memory_space<vmem>>
    %dma_wait3A_23 = tpu.memref_squeeze %dma_wait3A_22 : memref<1x128xi32, #tpu.memory_space<vmem>> -> memref<128xi32, #tpu.memory_space<vmem>>
    %dma_wait3A_24 = arith.constant 0 : i32
    %dma_wait3A_25 = arith.constant 0 : i32
    %dma_wait3A_26 = tpu.memref_slice %arg9[%dma_wait3A_24, %dma_wait3A_25] : memref<10112x128xf32, #tpu.memory_space<vmem_shared>> -> memref<10112x128xf32, #tpu.memory_space<vmem_shared>>
    tpu.wait_indirect_dma semaphore(%arg14 : memref<!tpu.dma_semaphore, #tpu.memory_space<semaphore_mem>>) src(%arg10 : memref<128x128xf32, #tpu.memory_space<vmem>>) dst(%dma_wait3A_26 : memref<10112x128xf32, #tpu.memory_space<vmem_shared>>)
    %dma_wait3A_27 = arith.constant 39 : i32
    %dma_wait3A_28 = arith.constant 0 : i32
    %dma_wait3A_29 = tpu.memref_slice %arg8[%dma_wait3A_27, %dma_wait3A_28] : memref<40x128xi32, #tpu.memory_space<vmem>> -> memref<1x128xi32, #tpu.memory_space<vmem>>
    %dma_wait3A_30 = tpu.memref_squeeze %dma_wait3A_29 : memref<1x128xi32, #tpu.memory_space<vmem>> -> memref<128xi32, #tpu.memory_space<vmem>>
    %dma_wait3A_31 = arith.constant 0 : i32
    %dma_wait3A_32 = arith.constant 0 : i32
    %dma_wait3A_33 = tpu.memref_slice %arg9[%dma_wait3A_31, %dma_wait3A_32] : memref<10112x128xf32, #tpu.memory_space<vmem_shared>> -> memref<10112x128xf32, #tpu.memory_space<vmem_shared>>
    tpu.wait_indirect_dma semaphore(%arg15 : memref<!tpu.dma_semaphore, #tpu.memory_space<semaphore_mem>>) src(%arg11 : memref<128x128xf32, #tpu.memory_space<vmem>>) dst(%dma_wait3A_33 : memref<10112x128xf32, #tpu.memory_space<vmem_shared>>)
    "tpu.region"() ({
      %run_scoped3A = tpu.sem_alloc : memref<!tpu.dma_semaphore, #tpu.memory_space<semaphore_mem>>
      %dma_start3A_69 = arith.constant 40 : i32
      %dma_start3A_70 = arith.constant 0 : i32
      %dma_start3A_71 = tpu.memref_slice %arg3[%add3A, %dma_start3A_69, %dma_start3A_70] : memref<32x80x128xi32, #tpu.memory_space<hbm>> -> memref<1x40x128xi32, #tpu.memory_space<hbm>>
      %dma_start3A_72 = tpu.memref_squeeze %dma_start3A_71 : memref<1x40x128xi32, #tpu.memory_space<hbm>> -> memref<40x128xi32, #tpu.memory_space<hbm>>
      %dma_start3A_73 = arith.constant 40 : i32
      %dma_start3A_74 = arith.constant 0 : i32
      %dma_start3A_75 = tpu.memref_slice %arg3[%add3A, %dma_start3A_73, %dma_start3A_74] : memref<32x80x128xi32, #tpu.memory_space<hbm>> -> memref<1x40x128xi32, #tpu.memory_space<hbm>>
      %dma_start3A_76 = tpu.memref_squeeze %dma_start3A_75 : memref<1x40x128xi32, #tpu.memory_space<hbm>> -> memref<40x128xi32, #tpu.memory_space<hbm>>
      tpu.enqueue_dma source(%dma_start3A_76 : memref<40x128xi32, #tpu.memory_space<hbm>>) target(%arg7 : memref<40x128xi32, #tpu.memory_space<vmem>>) target_semaphore(%run_scoped3A : memref<!tpu.dma_semaphore, #tpu.memory_space<semaphore_mem>>)
      %dma_wait3A_77 = arith.constant 40 : i32
      %dma_wait3A_78 = arith.constant 0 : i32
      %dma_wait3A_79 = tpu.memref_slice %arg3[%add3A, %dma_wait3A_77, %dma_wait3A_78] : memref<32x80x128xi32, #tpu.memory_space<hbm>> -> memref<1x40x128xi32, #tpu.memory_space<hbm>>
      %dma_wait3A_80 = tpu.memref_squeeze %dma_wait3A_79 : memref<1x40x128xi32, #tpu.memory_space<hbm>> -> memref<40x128xi32, #tpu.memory_space<hbm>>
      %dma_wait3A_81 = arith.constant 40 : i32
      %dma_wait3A_82 = arith.constant 0 : i32
      %dma_wait3A_83 = tpu.memref_slice %arg3[%add3A, %dma_wait3A_81, %dma_wait3A_82] : memref<32x80x128xi32, #tpu.memory_space<hbm>> -> memref<1x40x128xi32, #tpu.memory_space<hbm>>
      %dma_wait3A_84 = tpu.memref_squeeze %dma_wait3A_83 : memref<1x40x128xi32, #tpu.memory_space<hbm>> -> memref<40x128xi32, #tpu.memory_space<hbm>>
      tpu.wait_dma2 semaphore(%run_scoped3A : memref<!tpu.dma_semaphore, #tpu.memory_space<semaphore_mem>>) src(%dma_wait3A_84 : memref<40x128xi32, #tpu.memory_space<hbm>>) dst(%arg7 : memref<40x128xi32, #tpu.memory_space<vmem>>)
      tpu.yield
    }) : () -> ()
    "tpu.region"() ({
      %run_scoped3A = tpu.sem_alloc : memref<!tpu.dma_semaphore, #tpu.memory_space<semaphore_mem>>
      %dma_start3A_69 = arith.constant 40 : i32
      %dma_start3A_70 = arith.constant 0 : i32
      %dma_start3A_71 = tpu.memref_slice %arg4[%add3A, %dma_start3A_69, %dma_start3A_70] : memref<32x80x128xi32, #tpu.memory_space<hbm>> -> memref<1x40x128xi32, #tpu.memory_space<hbm>>
      %dma_start3A_72 = tpu.memref_squeeze %dma_start3A_71 : memref<1x40x128xi32, #tpu.memory_space<hbm>> -> memref<40x128xi32, #tpu.memory_space<hbm>>
      %dma_start3A_73 = arith.constant 40 : i32
      %dma_start3A_74 = arith.constant 0 : i32
      %dma_start3A_75 = tpu.memref_slice %arg4[%add3A, %dma_start3A_73, %dma_start3A_74] : memref<32x80x128xi32, #tpu.memory_space<hbm>> -> memref<1x40x128xi32, #tpu.memory_space<hbm>>
      %dma_start3A_76 = tpu.memref_squeeze %dma_start3A_75 : memref<1x40x128xi32, #tpu.memory_space<hbm>> -> memref<40x128xi32, #tpu.memory_space<hbm>>
      tpu.enqueue_dma source(%dma_start3A_76 : memref<40x128xi32, #tpu.memory_space<hbm>>) target(%arg8 : memref<40x128xi32, #tpu.memory_space<vmem>>) target_semaphore(%run_scoped3A : memref<!tpu.dma_semaphore, #tpu.memory_space<semaphore_mem>>)
      %dma_wait3A_77 = arith.constant 40 : i32
      %dma_wait3A_78 = arith.constant 0 : i32
      %dma_wait3A_79 = tpu.memref_slice %arg4[%add3A, %dma_wait3A_77, %dma_wait3A_78] : memref<32x80x128xi32, #tpu.memory_space<hbm>> -> memref<1x40x128xi32, #tpu.memory_space<hbm>>
      %dma_wait3A_80 = tpu.memref_squeeze %dma_wait3A_79 : memref<1x40x128xi32, #tpu.memory_space<hbm>> -> memref<40x128xi32, #tpu.memory_space<hbm>>
      %dma_wait3A_81 = arith.constant 40 : i32
      %dma_wait3A_82 = arith.constant 0 : i32
      %dma_wait3A_83 = tpu.memref_slice %arg4[%add3A, %dma_wait3A_81, %dma_wait3A_82] : memref<32x80x128xi32, #tpu.memory_space<hbm>> -> memref<1x40x128xi32, #tpu.memory_space<hbm>>
      %dma_wait3A_84 = tpu.memref_squeeze %dma_wait3A_83 : memref<1x40x128xi32, #tpu.memory_space<hbm>> -> memref<40x128xi32, #tpu.memory_space<hbm>>
      tpu.wait_dma2 semaphore(%run_scoped3A : memref<!tpu.dma_semaphore, #tpu.memory_space<semaphore_mem>>) src(%dma_wait3A_84 : memref<40x128xi32, #tpu.memory_space<hbm>>) dst(%arg8 : memref<40x128xi32, #tpu.memory_space<vmem>>)
      tpu.yield
    }) : () -> ()
    %dma_start3A_34 = arith.constant 0 : i32
    %dma_start3A_35 = arith.constant 0 : i32
    %dma_start3A_36 = tpu.memref_slice %arg7[%dma_start3A_34, %dma_start3A_35] : memref<40x128xi32, #tpu.memory_space<vmem>> -> memref<1x128xi32, #tpu.memory_space<vmem>>
    %dma_start3A_37 = tpu.memref_squeeze %dma_start3A_36 : memref<1x128xi32, #tpu.memory_space<vmem>> -> memref<128xi32, #tpu.memory_space<vmem>>
    %dma_start3A_38 = arith.constant 0 : i32
    %dma_start3A_39 = arith.constant 0 : i32
    %dma_start3A_40 = tpu.memref_slice %arg2[%dma_start3A_38, %dma_start3A_39] : memref<10000x128xf32, #tpu.memory_space<hbm>> -> memref<10000x128xf32, #tpu.memory_space<hbm>>
    tpu.enqueue_indirect_dma source(%dma_start3A_40 : memref<10000x128xf32, #tpu.memory_space<hbm>>) target(%arg10 : memref<128x128xf32, #tpu.memory_space<vmem>>) offsets(%dma_start3A_37 : memref<128xi32, #tpu.memory_space<vmem>>) semaphore(%arg12 : memref<!tpu.dma_semaphore, #tpu.memory_space<semaphore_mem>>)
    %dma_start3A_41 = arith.constant 1 : i32
    %dma_start3A_42 = arith.constant 0 : i32
    %dma_start3A_43 = tpu.memref_slice %arg7[%dma_start3A_41, %dma_start3A_42] : memref<40x128xi32, #tpu.memory_space<vmem>> -> memref<1x128xi32, #tpu.memory_space<vmem>>
    %dma_start3A_44 = tpu.memref_squeeze %dma_start3A_43 : memref<1x128xi32, #tpu.memory_space<vmem>> -> memref<128xi32, #tpu.memory_space<vmem>>
    %dma_start3A_45 = arith.constant 0 : i32
    %dma_start3A_46 = arith.constant 0 : i32
    %dma_start3A_47 = tpu.memref_slice %arg2[%dma_start3A_45, %dma_start3A_46] : memref<10000x128xf32, #tpu.memory_space<hbm>> -> memref<10000x128xf32, #tpu.memory_space<hbm>>
    tpu.enqueue_indirect_dma source(%dma_start3A_47 : memref<10000x128xf32, #tpu.memory_space<hbm>>) target(%arg11 : memref<128x128xf32, #tpu.memory_space<vmem>>) offsets(%dma_start3A_44 : memref<128xi32, #tpu.memory_space<vmem>>) semaphore(%arg13 : memref<!tpu.dma_semaphore, #tpu.memory_space<semaphore_mem>>)
    %scan3A_48 = arith.constant 0 : i32
    %scan3A_49 = arith.constant 0 : i32
    %scan3A_50 = arith.constant 20 : i32
    %scan3A_51 = arith.addi %scan3A_49, %scan3A_50 : i32
    %scan3A_52 = arith.constant 1 : i32
    scf.for %scan3A_69 = %scan3A_49 to %scan3A_51 step %scan3A_52  : i32 {
      %mul3A_70 = arith.constant 2 : i32
      %mul3A_71 = arith.muli %scan3A_69, %mul3A_70 : i32
      %add3A_72 = arith.constant 0 : i32
      %add3A_73 = arith.addi %mul3A_71, %add3A_72 : i32
      %dma_wait3A_74 = arith.constant 0 : i32
      %dma_wait3A_75 = tpu.memref_slice %arg7[%add3A_73, %dma_wait3A_74] : memref<40x128xi32, #tpu.memory_space<vmem>> -> memref<1x128xi32, #tpu.memory_space<vmem>>
      %dma_wait3A_76 = tpu.memref_squeeze %dma_wait3A_75 : memref<1x128xi32, #tpu.memory_space<vmem>> -> memref<128xi32, #tpu.memory_space<vmem>>
      %dma_wait3A_77 = arith.constant 0 : i32
      %dma_wait3A_78 = arith.constant 0 : i32
      %dma_wait3A_79 = tpu.memref_slice %arg2[%dma_wait3A_77, %dma_wait3A_78] : memref<10000x128xf32, #tpu.memory_space<hbm>> -> memref<10000x128xf32, #tpu.memory_space<hbm>>
      tpu.wait_indirect_dma semaphore(%arg12 : memref<!tpu.dma_semaphore, #tpu.memory_space<semaphore_mem>>) src(%dma_wait3A_79 : memref<10000x128xf32, #tpu.memory_space<hbm>>) dst(%arg10 : memref<128x128xf32, #tpu.memory_space<vmem>>)
      %dma_start3A_80 = arith.constant 0 : i32
      %dma_start3A_81 = tpu.memref_slice %arg8[%add3A_73, %dma_start3A_80] : memref<40x128xi32, #tpu.memory_space<vmem>> -> memref<1x128xi32, #tpu.memory_space<vmem>>
      %dma_start3A_82 = tpu.memref_squeeze %dma_start3A_81 : memref<1x128xi32, #tpu.memory_space<vmem>> -> memref<128xi32, #tpu.memory_space<vmem>>
      %dma_start3A_83 = arith.constant 0 : i32
      %dma_start3A_84 = arith.constant 0 : i32
      %dma_start3A_85 = tpu.memref_slice %arg9[%dma_start3A_83, %dma_start3A_84] : memref<10112x128xf32, #tpu.memory_space<vmem_shared>> -> memref<10112x128xf32, #tpu.memory_space<vmem_shared>>
      tpu.enqueue_indirect_dma source(%arg10 : memref<128x128xf32, #tpu.memory_space<vmem>>) target(%dma_start3A_85 : memref<10112x128xf32, #tpu.memory_space<vmem_shared>>) offsets(%dma_start3A_82 : memref<128xi32, #tpu.memory_space<vmem>>) semaphore(%arg14 : memref<!tpu.dma_semaphore, #tpu.memory_space<semaphore_mem>>) {add = true}
      %add3A_86 = arith.constant 2 : i32
      %add3A_87 = arith.addi %add3A_73, %add3A_86 : i32
      %lt3A = arith.constant 40 : i32
      %lt3A_88 = arith.cmpi slt, %add3A_87, %lt3A : i32
      %convert_element_type3A = arith.extui %lt3A_88 : i1 to i32
      %cond3A = arith.constant 0 : i32
      %cond3A_89 = arith.cmpi ne, %convert_element_type3A, %cond3A : i32
      scf.if %cond3A_89 {
        %dma_wait3A_113 = arith.constant 0 : i32
        %dma_wait3A_114 = tpu.memref_slice %arg8[%add3A_73, %dma_wait3A_113] : memref<40x128xi32, #tpu.memory_space<vmem>> -> memref<1x128xi32, #tpu.memory_space<vmem>>
        %dma_wait3A_115 = tpu.memref_squeeze %dma_wait3A_114 : memref<1x128xi32, #tpu.memory_space<vmem>> -> memref<128xi32, #tpu.memory_space<vmem>>
        %dma_wait3A_116 = arith.constant 0 : i32
        %dma_wait3A_117 = arith.constant 0 : i32
        %dma_wait3A_118 = tpu.memref_slice %arg9[%dma_wait3A_116, %dma_wait3A_117] : memref<10112x128xf32, #tpu.memory_space<vmem_shared>> -> memref<10112x128xf32, #tpu.memory_space<vmem_shared>>
        tpu.wait_indirect_dma semaphore(%arg14 : memref<!tpu.dma_semaphore, #tpu.memory_space<semaphore_mem>>) src(%arg10 : memref<128x128xf32, #tpu.memory_space<vmem>>) dst(%dma_wait3A_118 : memref<10112x128xf32, #tpu.memory_space<vmem_shared>>)
        %dma_start3A_119 = arith.constant 0 : i32
        %dma_start3A_120 = tpu.memref_slice %arg7[%add3A_87, %dma_start3A_119] : memref<40x128xi32, #tpu.memory_space<vmem>> -> memref<1x128xi32, #tpu.memory_space<vmem>>
        %dma_start3A_121 = tpu.memref_squeeze %dma_start3A_120 : memref<1x128xi32, #tpu.memory_space<vmem>> -> memref<128xi32, #tpu.memory_space<vmem>>
        %dma_start3A_122 = arith.constant 0 : i32
        %dma_start3A_123 = arith.constant 0 : i32
        %dma_start3A_124 = tpu.memref_slice %arg2[%dma_start3A_122, %dma_start3A_123] : memref<10000x128xf32, #tpu.memory_space<hbm>> -> memref<10000x128xf32, #tpu.memory_space<hbm>>
        tpu.enqueue_indirect_dma source(%dma_start3A_124 : memref<10000x128xf32, #tpu.memory_space<hbm>>) target(%arg10 : memref<128x128xf32, #tpu.memory_space<vmem>>) offsets(%dma_start3A_121 : memref<128xi32, #tpu.memory_space<vmem>>) semaphore(%arg12 : memref<!tpu.dma_semaphore, #tpu.memory_space<semaphore_mem>>)
      } else {
      }
      %mul3A_90 = arith.constant 2 : i32
      %mul3A_91 = arith.muli %scan3A_69, %mul3A_90 : i32
      %add3A_92 = arith.constant 1 : i32
      %add3A_93 = arith.addi %mul3A_91, %add3A_92 : i32
      %dma_wait3A_94 = arith.constant 0 : i32
      %dma_wait3A_95 = tpu.memref_slice %arg7[%add3A_93, %dma_wait3A_94] : memref<40x128xi32, #tpu.memory_space<vmem>> -> memref<1x128xi32, #tpu.memory_space<vmem>>
      %dma_wait3A_96 = tpu.memref_squeeze %dma_wait3A_95 : memref<1x128xi32, #tpu.memory_space<vmem>> -> memref<128xi32, #tpu.memory_space<vmem>>
      %dma_wait3A_97 = arith.constant 0 : i32
      %dma_wait3A_98 = arith.constant 0 : i32
      %dma_wait3A_99 = tpu.memref_slice %arg2[%dma_wait3A_97, %dma_wait3A_98] : memref<10000x128xf32, #tpu.memory_space<hbm>> -> memref<10000x128xf32, #tpu.memory_space<hbm>>
      tpu.wait_indirect_dma semaphore(%arg13 : memref<!tpu.dma_semaphore, #tpu.memory_space<semaphore_mem>>) src(%dma_wait3A_99 : memref<10000x128xf32, #tpu.memory_space<hbm>>) dst(%arg11 : memref<128x128xf32, #tpu.memory_space<vmem>>)
      %dma_start3A_100 = arith.constant 0 : i32
      %dma_start3A_101 = tpu.memref_slice %arg8[%add3A_93, %dma_start3A_100] : memref<40x128xi32, #tpu.memory_space<vmem>> -> memref<1x128xi32, #tpu.memory_space<vmem>>
      %dma_start3A_102 = tpu.memref_squeeze %dma_start3A_101 : memref<1x128xi32, #tpu.memory_space<vmem>> -> memref<128xi32, #tpu.memory_space<vmem>>
      %dma_start3A_103 = arith.constant 0 : i32
      %dma_start3A_104 = arith.constant 0 : i32
      %dma_start3A_105 = tpu.memref_slice %arg9[%dma_start3A_103, %dma_start3A_104] : memref<10112x128xf32, #tpu.memory_space<vmem_shared>> -> memref<10112x128xf32, #tpu.memory_space<vmem_shared>>
      tpu.enqueue_indirect_dma source(%arg11 : memref<128x128xf32, #tpu.memory_space<vmem>>) target(%dma_start3A_105 : memref<10112x128xf32, #tpu.memory_space<vmem_shared>>) offsets(%dma_start3A_102 : memref<128xi32, #tpu.memory_space<vmem>>) semaphore(%arg15 : memref<!tpu.dma_semaphore, #tpu.memory_space<semaphore_mem>>) {add = true}
      %add3A_106 = arith.constant 2 : i32
      %add3A_107 = arith.addi %add3A_93, %add3A_106 : i32
      %lt3A_108 = arith.constant 40 : i32
      %lt3A_109 = arith.cmpi slt, %add3A_107, %lt3A_108 : i32
      %convert_element_type3A_110 = arith.extui %lt3A_109 : i1 to i32
      %cond3A_111 = arith.constant 0 : i32
      %cond3A_112 = arith.cmpi ne, %convert_element_type3A_110, %cond3A_111 : i32
      scf.if %cond3A_112 {
        %dma_wait3A_113 = arith.constant 0 : i32
        %dma_wait3A_114 = tpu.memref_slice %arg8[%add3A_93, %dma_wait3A_113] : memref<40x128xi32, #tpu.memory_space<vmem>> -> memref<1x128xi32, #tpu.memory_space<vmem>>
        %dma_wait3A_115 = tpu.memref_squeeze %dma_wait3A_114 : memref<1x128xi32, #tpu.memory_space<vmem>> -> memref<128xi32, #tpu.memory_space<vmem>>
        %dma_wait3A_116 = arith.constant 0 : i32
        %dma_wait3A_117 = arith.constant 0 : i32
        %dma_wait3A_118 = tpu.memref_slice %arg9[%dma_wait3A_116, %dma_wait3A_117] : memref<10112x128xf32, #tpu.memory_space<vmem_shared>> -> memref<10112x128xf32, #tpu.memory_space<vmem_shared>>
        tpu.wait_indirect_dma semaphore(%arg15 : memref<!tpu.dma_semaphore, #tpu.memory_space<semaphore_mem>>) src(%arg11 : memref<128x128xf32, #tpu.memory_space<vmem>>) dst(%dma_wait3A_118 : memref<10112x128xf32, #tpu.memory_space<vmem_shared>>)
        %dma_start3A_119 = arith.constant 0 : i32
        %dma_start3A_120 = tpu.memref_slice %arg7[%add3A_107, %dma_start3A_119] : memref<40x128xi32, #tpu.memory_space<vmem>> -> memref<1x128xi32, #tpu.memory_space<vmem>>
        %dma_start3A_121 = tpu.memref_squeeze %dma_start3A_120 : memref<1x128xi32, #tpu.memory_space<vmem>> -> memref<128xi32, #tpu.memory_space<vmem>>
        %dma_start3A_122 = arith.constant 0 : i32
        %dma_start3A_123 = arith.constant 0 : i32
        %dma_start3A_124 = tpu.memref_slice %arg2[%dma_start3A_122, %dma_start3A_123] : memref<10000x128xf32, #tpu.memory_space<hbm>> -> memref<10000x128xf32, #tpu.memory_space<hbm>>
        tpu.enqueue_indirect_dma source(%dma_start3A_124 : memref<10000x128xf32, #tpu.memory_space<hbm>>) target(%arg11 : memref<128x128xf32, #tpu.memory_space<vmem>>) offsets(%dma_start3A_121 : memref<128xi32, #tpu.memory_space<vmem>>) semaphore(%arg13 : memref<!tpu.dma_semaphore, #tpu.memory_space<semaphore_mem>>)
      } else {
      }
    }
    %scan3A_53 = arith.constant 20 : i32
    %dma_wait3A_54 = arith.constant 38 : i32
    %dma_wait3A_55 = arith.constant 0 : i32
    %dma_wait3A_56 = tpu.memref_slice %arg8[%dma_wait3A_54, %dma_wait3A_55] : memref<40x128xi32, #tpu.memory_space<vmem>> -> memref<1x128xi32, #tpu.memory_space<vmem>>
    %dma_wait3A_57 = tpu.memref_squeeze %dma_wait3A_56 : memref<1x128xi32, #tpu.memory_space<vmem>> -> memref<128xi32, #tpu.memory_space<vmem>>
    %dma_wait3A_58 = arith.constant 0 : i32
    %dma_wait3A_59 = arith.constant 0 : i32
    %dma_wait3A_60 = tpu.memref_slice %arg9[%dma_wait3A_58, %dma_wait3A_59] : memref<10112x128xf32, #tpu.memory_space<vmem_shared>> -> memref<10112x128xf32, #tpu.memory_space<vmem_shared>>
    tpu.wait_indirect_dma semaphore(%arg14 : memref<!tpu.dma_semaphore, #tpu.memory_space<semaphore_mem>>) src(%arg10 : memref<128x128xf32, #tpu.memory_space<vmem>>) dst(%dma_wait3A_60 : memref<10112x128xf32, #tpu.memory_space<vmem_shared>>)
    %dma_wait3A_61 = arith.constant 39 : i32
    %dma_wait3A_62 = arith.constant 0 : i32
    %dma_wait3A_63 = tpu.memref_slice %arg8[%dma_wait3A_61, %dma_wait3A_62] : memref<40x128xi32, #tpu.memory_space<vmem>> -> memref<1x128xi32, #tpu.memory_space<vmem>>
    %dma_wait3A_64 = tpu.memref_squeeze %dma_wait3A_63 : memref<1x128xi32, #tpu.memory_space<vmem>> -> memref<128xi32, #tpu.memory_space<vmem>>
    %dma_wait3A_65 = arith.constant 0 : i32
    %dma_wait3A_66 = arith.constant 0 : i32
    %dma_wait3A_67 = tpu.memref_slice %arg9[%dma_wait3A_65, %dma_wait3A_66] : memref<10112x128xf32, #tpu.memory_space<vmem_shared>> -> memref<10112x128xf32, #tpu.memory_space<vmem_shared>>
    tpu.wait_indirect_dma semaphore(%arg15 : memref<!tpu.dma_semaphore, #tpu.memory_space<semaphore_mem>>) src(%arg11 : memref<128x128xf32, #tpu.memory_space<vmem>>) dst(%dma_wait3A_67 : memref<10112x128xf32, #tpu.memory_space<vmem_shared>>)
    %barrier3A_68 = arith.constant 0 : index
    tpu.barrier barrier_id(%barrier3A_68)
    "tpu.region"() ({
      %run_scoped3A = tpu.sem_alloc : memref<!tpu.dma_semaphore, #tpu.memory_space<semaphore_mem>>
      %dma_start3A_69 = arith.constant 0 : i32
      %dma_start3A_70 = tpu.memref_slice %arg6[%arg0, %mul3A_0, %dma_start3A_69] : memref<2x10112x128xf32, #tpu.memory_space<hbm>> -> memref<1x632x128xf32, #tpu.memory_space<hbm>>
      %dma_start3A_71 = tpu.memref_squeeze %dma_start3A_70 : memref<1x632x128xf32, #tpu.memory_space<hbm>> -> memref<632x128xf32, #tpu.memory_space<hbm>>
      %dma_start3A_72 = arith.constant 0 : i32
      %dma_start3A_73 = tpu.memref_slice %arg9[%mul3A_0, %dma_start3A_72] : memref<10112x128xf32, #tpu.memory_space<vmem_shared>> -> memref<632x128xf32, #tpu.memory_space<vmem_shared>>
      tpu.enqueue_dma source(%dma_start3A_73 : memref<632x128xf32, #tpu.memory_space<vmem_shared>>) target(%dma_start3A_71 : memref<632x128xf32, #tpu.memory_space<hbm>>) target_semaphore(%run_scoped3A : memref<!tpu.dma_semaphore, #tpu.memory_space<semaphore_mem>>)
      %dma_wait3A_74 = arith.constant 0 : i32
      %dma_wait3A_75 = tpu.memref_slice %arg6[%arg0, %mul3A_0, %dma_wait3A_74] : memref<2x10112x128xf32, #tpu.memory_space<hbm>> -> memref<1x632x128xf32, #tpu.memory_space<hbm>>
      %dma_wait3A_76 = tpu.memref_squeeze %dma_wait3A_75 : memref<1x632x128xf32, #tpu.memory_space<hbm>> -> memref<632x128xf32, #tpu.memory_space<hbm>>
      %dma_wait3A_77 = arith.constant 0 : i32
      %dma_wait3A_78 = tpu.memref_slice %arg9[%mul3A_0, %dma_wait3A_77] : memref<10112x128xf32, #tpu.memory_space<vmem_shared>> -> memref<632x128xf32, #tpu.memory_space<vmem_shared>>
      tpu.wait_dma2 semaphore(%run_scoped3A : memref<!tpu.dma_semaphore, #tpu.memory_space<semaphore_mem>>) src(%dma_wait3A_78 : memref<632x128xf32, #tpu.memory_space<vmem_shared>>) dst(%dma_wait3A_76 : memref<632x128xf32, #tpu.memory_space<hbm>>)
      tpu.yield
    }) : () -> ()
    return
  }
}

#map = affine_map<(d0, d1) -> (0, 0)>
#map1 = affine_map<(d0, d1) -> (0, 0, 0)>
module attributes {stable_mosaic.version = 14 : i64} {
  func.func @body(%arg0: i32, %arg1: i32, %arg2: memref<10112x128xf32, #tpu.memory_space<hbm>>, %arg3: memref<32x80x128xi32, #tpu.memory_space<hbm>>, %arg4: memref<32x80x128xi32, #tpu.memory_space<hbm>>, %arg5: memref<632x128xf32, #tpu.memory_space<hbm>>, %arg6: memref<2x10112x128xf32, #tpu.memory_space<hbm>>, %arg7: memref<40x128xi32, #tpu.memory_space<vmem>>, %arg8: memref<40x128xi32, #tpu.memory_space<vmem>>, %arg9: memref<10112x128xf32, #tpu.memory_space<vmem_shared>>, %arg10: memref<128x128xf32, #tpu.memory_space<vmem>>, %arg11: memref<128x128xf32, #tpu.memory_space<vmem>>, %arg12: memref<!tpu.dma_semaphore, #tpu.memory_space<semaphore_mem>>, %arg13: memref<!tpu.dma_semaphore, #tpu.memory_space<semaphore_mem>>, %arg14: memref<!tpu.dma_semaphore, #tpu.memory_space<semaphore_mem>>, %arg15: memref<!tpu.dma_semaphore, #tpu.memory_space<semaphore_mem>>) attributes {dimension_semantics = [#tpu.dimension_semantics<core_parallel>, #tpu.dimension_semantics<subcore_parallel>], iteration_bounds = array<i64: 2, 16>, scalar_prefetch = 0 : i64, scratch_operands = 9 : i64, tpu.core_type = #tpu.core_type<sc_vector_subcore>, window_params = [{transform_indices = #map}, {transform_indices = #map1}, {transform_indices = #map1}, {transform_indices = #map}, {transform_indices = #map1}]} {
    %mul3A = arith.constant 632 : i32
    %mul3A_0 = arith.muli %arg1, %mul3A : i32
    "tpu.region"() ({
      %run_scoped3A = tpu.sem_alloc : memref<!tpu.dma_semaphore, #tpu.memory_space<semaphore_mem>>
      %dma_start3A_69 = arith.constant 0 : i32
      %dma_start3A_70 = tpu.memref_slice %arg9[%mul3A_0, %dma_start3A_69] : memref<10112x128xf32, #tpu.memory_space<vmem_shared>> -> memref<632x128xf32, #tpu.memory_space<vmem_shared>>
      tpu.enqueue_dma source(%arg5 : memref<632x128xf32, #tpu.memory_space<hbm>>) target(%dma_start3A_70 : memref<632x128xf32, #tpu.memory_space<vmem_shared>>) target_semaphore(%run_scoped3A : memref<!tpu.dma_semaphore, #tpu.memory_space<semaphore_mem>>)
      %dma_wait3A_71 = arith.constant 0 : i32
      %dma_wait3A_72 = tpu.memref_slice %arg9[%mul3A_0, %dma_wait3A_71] : memref<10112x128xf32, #tpu.memory_space<vmem_shared>> -> memref<632x128xf32, #tpu.memory_space<vmem_shared>>
      tpu.wait_dma2 semaphore(%run_scoped3A : memref<!tpu.dma_semaphore, #tpu.memory_space<semaphore_mem>>) src(%arg5 : memref<632x128xf32, #tpu.memory_space<hbm>>) dst(%dma_wait3A_72 : memref<632x128xf32, #tpu.memory_space<vmem_shared>>)
      tpu.yield
    }) : () -> ()
    %barrier3A = arith.constant 0 : index
    tpu.barrier barrier_id(%barrier3A)
    %mul3A_1 = arith.constant 16 : i32
    %mul3A_2 = arith.muli %arg0, %mul3A_1 : i32
    %add3A = arith.addi %mul3A_2, %arg1 : i32
    "tpu.region"() ({
      %run_scoped3A = tpu.sem_alloc : memref<!tpu.dma_semaphore, #tpu.memory_space<semaphore_mem>>
      %dma_start3A_69 = arith.constant 0 : i32
      %dma_start3A_70 = arith.constant 0 : i32
      %dma_start3A_71 = tpu.memref_slice %arg3[%add3A, %dma_start3A_69, %dma_start3A_70] : memref<32x80x128xi32, #tpu.memory_space<hbm>> -> memref<1x40x128xi32, #tpu.memory_space<hbm>>
      %dma_start3A_72 = tpu.memref_squeeze %dma_start3A_71 : memref<1x40x128xi32, #tpu.memory_space<hbm>> -> memref<40x128xi32, #tpu.memory_space<hbm>>
      %dma_start3A_73 = arith.constant 0 : i32
      %dma_start3A_74 = arith.constant 0 : i32
      %dma_start3A_75 = tpu.memref_slice %arg3[%add3A, %dma_start3A_73, %dma_start3A_74] : memref<32x80x128xi32, #tpu.memory_space<hbm>> -> memref<1x40x128xi32, #tpu.memory_space<hbm>>
      %dma_start3A_76 = tpu.memref_squeeze %dma_start3A_75 : memref<1x40x128xi32, #tpu.memory_space<hbm>> -> memref<40x128xi32, #tpu.memory_space<hbm>>
      tpu.enqueue_dma source(%dma_start3A_76 : memref<40x128xi32, #tpu.memory_space<hbm>>) target(%arg7 : memref<40x128xi32, #tpu.memory_space<vmem>>) target_semaphore(%run_scoped3A : memref<!tpu.dma_semaphore, #tpu.memory_space<semaphore_mem>>)
      %dma_wait3A_77 = arith.constant 0 : i32
      %dma_wait3A_78 = arith.constant 0 : i32
      %dma_wait3A_79 = tpu.memref_slice %arg3[%add3A, %dma_wait3A_77, %dma_wait3A_78] : memref<32x80x128xi32, #tpu.memory_space<hbm>> -> memref<1x40x128xi32, #tpu.memory_space<hbm>>
      %dma_wait3A_80 = tpu.memref_squeeze %dma_wait3A_79 : memref<1x40x128xi32, #tpu.memory_space<hbm>> -> memref<40x128xi32, #tpu.memory_space<hbm>>
      %dma_wait3A_81 = arith.constant 0 : i32
      %dma_wait3A_82 = arith.constant 0 : i32
      %dma_wait3A_83 = tpu.memref_slice %arg3[%add3A, %dma_wait3A_81, %dma_wait3A_82] : memref<32x80x128xi32, #tpu.memory_space<hbm>> -> memref<1x40x128xi32, #tpu.memory_space<hbm>>
      %dma_wait3A_84 = tpu.memref_squeeze %dma_wait3A_83 : memref<1x40x128xi32, #tpu.memory_space<hbm>> -> memref<40x128xi32, #tpu.memory_space<hbm>>
      tpu.wait_dma2 semaphore(%run_scoped3A : memref<!tpu.dma_semaphore, #tpu.memory_space<semaphore_mem>>) src(%dma_wait3A_84 : memref<40x128xi32, #tpu.memory_space<hbm>>) dst(%arg7 : memref<40x128xi32, #tpu.memory_space<vmem>>)
      tpu.yield
    }) : () -> ()
    "tpu.region"() ({
      %run_scoped3A = tpu.sem_alloc : memref<!tpu.dma_semaphore, #tpu.memory_space<semaphore_mem>>
      %dma_start3A_69 = arith.constant 0 : i32
      %dma_start3A_70 = arith.constant 0 : i32
      %dma_start3A_71 = tpu.memref_slice %arg4[%add3A, %dma_start3A_69, %dma_start3A_70] : memref<32x80x128xi32, #tpu.memory_space<hbm>> -> memref<1x40x128xi32, #tpu.memory_space<hbm>>
      %dma_start3A_72 = tpu.memref_squeeze %dma_start3A_71 : memref<1x40x128xi32, #tpu.memory_space<hbm>> -> memref<40x128xi32, #tpu.memory_space<hbm>>
      %dma_start3A_73 = arith.constant 0 : i32
      %dma_start3A_74 = arith.constant 0 : i32
      %dma_start3A_75 = tpu.memref_slice %arg4[%add3A, %dma_start3A_73, %dma_start3A_74] : memref<32x80x128xi32, #tpu.memory_space<hbm>> -> memref<1x40x128xi32, #tpu.memory_space<hbm>>
      %dma_start3A_76 = tpu.memref_squeeze %dma_start3A_75 : memref<1x40x128xi32, #tpu.memory_space<hbm>> -> memref<40x128xi32, #tpu.memory_space<hbm>>
      tpu.enqueue_dma source(%dma_start3A_76 : memref<40x128xi32, #tpu.memory_space<hbm>>) target(%arg8 : memref<40x128xi32, #tpu.memory_space<vmem>>) target_semaphore(%run_scoped3A : memref<!tpu.dma_semaphore, #tpu.memory_space<semaphore_mem>>)
      %dma_wait3A_77 = arith.constant 0 : i32
      %dma_wait3A_78 = arith.constant 0 : i32
      %dma_wait3A_79 = tpu.memref_slice %arg4[%add3A, %dma_wait3A_77, %dma_wait3A_78] : memref<32x80x128xi32, #tpu.memory_space<hbm>> -> memref<1x40x128xi32, #tpu.memory_space<hbm>>
      %dma_wait3A_80 = tpu.memref_squeeze %dma_wait3A_79 : memref<1x40x128xi32, #tpu.memory_space<hbm>> -> memref<40x128xi32, #tpu.memory_space<hbm>>
      %dma_wait3A_81 = arith.constant 0 : i32
      %dma_wait3A_82 = arith.constant 0 : i32
      %dma_wait3A_83 = tpu.memref_slice %arg4[%add3A, %dma_wait3A_81, %dma_wait3A_82] : memref<32x80x128xi32, #tpu.memory_space<hbm>> -> memref<1x40x128xi32, #tpu.memory_space<hbm>>
      %dma_wait3A_84 = tpu.memref_squeeze %dma_wait3A_83 : memref<1x40x128xi32, #tpu.memory_space<hbm>> -> memref<40x128xi32, #tpu.memory_space<hbm>>
      tpu.wait_dma2 semaphore(%run_scoped3A : memref<!tpu.dma_semaphore, #tpu.memory_space<semaphore_mem>>) src(%dma_wait3A_84 : memref<40x128xi32, #tpu.memory_space<hbm>>) dst(%arg8 : memref<40x128xi32, #tpu.memory_space<vmem>>)
      tpu.yield
    }) : () -> ()
    %dma_start3A = arith.constant 0 : i32
    %dma_start3A_3 = arith.constant 0 : i32
    %dma_start3A_4 = tpu.memref_slice %arg7[%dma_start3A, %dma_start3A_3] : memref<40x128xi32, #tpu.memory_space<vmem>> -> memref<1x128xi32, #tpu.memory_space<vmem>>
    %dma_start3A_5 = tpu.memref_squeeze %dma_start3A_4 : memref<1x128xi32, #tpu.memory_space<vmem>> -> memref<128xi32, #tpu.memory_space<vmem>>
    %dma_start3A_6 = arith.constant 0 : i32
    %dma_start3A_7 = arith.constant 0 : i32
    %dma_start3A_8 = tpu.memref_slice %arg2[%dma_start3A_6, %dma_start3A_7] : memref<10112x128xf32, #tpu.memory_space<hbm>> -> memref<10112x128xf32, #tpu.memory_space<hbm>>
    tpu.enqueue_indirect_dma source(%dma_start3A_8 : memref<10112x128xf32, #tpu.memory_space<hbm>>) target(%arg10 : memref<128x128xf32, #tpu.memory_space<vmem>>) offsets(%dma_start3A_5 : memref<128xi32, #tpu.memory_space<vmem>>) semaphore(%arg12 : memref<!tpu.dma_semaphore, #tpu.memory_space<semaphore_mem>>)
    %dma_start3A_9 = arith.constant 1 : i32
    %dma_start3A_10 = arith.constant 0 : i32
    %dma_start3A_11 = tpu.memref_slice %arg7[%dma_start3A_9, %dma_start3A_10] : memref<40x128xi32, #tpu.memory_space<vmem>> -> memref<1x128xi32, #tpu.memory_space<vmem>>
    %dma_start3A_12 = tpu.memref_squeeze %dma_start3A_11 : memref<1x128xi32, #tpu.memory_space<vmem>> -> memref<128xi32, #tpu.memory_space<vmem>>
    %dma_start3A_13 = arith.constant 0 : i32
    %dma_start3A_14 = arith.constant 0 : i32
    %dma_start3A_15 = tpu.memref_slice %arg2[%dma_start3A_13, %dma_start3A_14] : memref<10112x128xf32, #tpu.memory_space<hbm>> -> memref<10112x128xf32, #tpu.memory_space<hbm>>
    tpu.enqueue_indirect_dma source(%dma_start3A_15 : memref<10112x128xf32, #tpu.memory_space<hbm>>) target(%arg11 : memref<128x128xf32, #tpu.memory_space<vmem>>) offsets(%dma_start3A_12 : memref<128xi32, #tpu.memory_space<vmem>>) semaphore(%arg13 : memref<!tpu.dma_semaphore, #tpu.memory_space<semaphore_mem>>)
    %scan3A = arith.constant 0 : i32
    %scan3A_16 = arith.constant 0 : i32
    %scan3A_17 = arith.constant 20 : i32
    %scan3A_18 = arith.addi %scan3A_16, %scan3A_17 : i32
    %scan3A_19 = arith.constant 1 : i32
    scf.for %scan3A_69 = %scan3A_16 to %scan3A_18 step %scan3A_19  : i32 {
      %mul3A_70 = arith.constant 2 : i32
      %mul3A_71 = arith.muli %scan3A_69, %mul3A_70 : i32
      %add3A_72 = arith.constant 0 : i32
      %add3A_73 = arith.addi %mul3A_71, %add3A_72 : i32
      %dma_wait3A_74 = arith.constant 0 : i32
      %dma_wait3A_75 = tpu.memref_slice %arg7[%add3A_73, %dma_wait3A_74] : memref<40x128xi32, #tpu.memory_space<vmem>> -> memref<1x128xi32, #tpu.memory_space<vmem>>
      %dma_wait3A_76 = tpu.memref_squeeze %dma_wait3A_75 : memref<1x128xi32, #tpu.memory_space<vmem>> -> memref<128xi32, #tpu.memory_space<vmem>>
      %dma_wait3A_77 = arith.constant 0 : i32
      %dma_wait3A_78 = arith.constant 0 : i32
      %dma_wait3A_79 = tpu.memref_slice %arg2[%dma_wait3A_77, %dma_wait3A_78] : memref<10112x128xf32, #tpu.memory_space<hbm>> -> memref<10112x128xf32, #tpu.memory_space<hbm>>
      tpu.wait_indirect_dma semaphore(%arg12 : memref<!tpu.dma_semaphore, #tpu.memory_space<semaphore_mem>>) src(%dma_wait3A_79 : memref<10112x128xf32, #tpu.memory_space<hbm>>) dst(%arg10 : memref<128x128xf32, #tpu.memory_space<vmem>>)
      %dma_start3A_80 = arith.constant 0 : i32
      %dma_start3A_81 = tpu.memref_slice %arg8[%add3A_73, %dma_start3A_80] : memref<40x128xi32, #tpu.memory_space<vmem>> -> memref<1x128xi32, #tpu.memory_space<vmem>>
      %dma_start3A_82 = tpu.memref_squeeze %dma_start3A_81 : memref<1x128xi32, #tpu.memory_space<vmem>> -> memref<128xi32, #tpu.memory_space<vmem>>
      %dma_start3A_83 = arith.constant 0 : i32
      %dma_start3A_84 = arith.constant 0 : i32
      %dma_start3A_85 = tpu.memref_slice %arg9[%dma_start3A_83, %dma_start3A_84] : memref<10112x128xf32, #tpu.memory_space<vmem_shared>> -> memref<10112x128xf32, #tpu.memory_space<vmem_shared>>
      tpu.enqueue_indirect_dma source(%arg10 : memref<128x128xf32, #tpu.memory_space<vmem>>) target(%dma_start3A_85 : memref<10112x128xf32, #tpu.memory_space<vmem_shared>>) offsets(%dma_start3A_82 : memref<128xi32, #tpu.memory_space<vmem>>) semaphore(%arg14 : memref<!tpu.dma_semaphore, #tpu.memory_space<semaphore_mem>>) {add = true}
      %add3A_86 = arith.constant 2 : i32
      %add3A_87 = arith.addi %add3A_73, %add3A_86 : i32
      %lt3A = arith.constant 40 : i32
      %lt3A_88 = arith.cmpi slt, %add3A_87, %lt3A : i32
      %convert_element_type3A = arith.extui %lt3A_88 : i1 to i32
      %cond3A = arith.constant 0 : i32
      %cond3A_89 = arith.cmpi ne, %convert_element_type3A, %cond3A : i32
      scf.if %cond3A_89 {
        %dma_wait3A_113 = arith.constant 0 : i32
        %dma_wait3A_114 = tpu.memref_slice %arg8[%add3A_73, %dma_wait3A_113] : memref<40x128xi32, #tpu.memory_space<vmem>> -> memref<1x128xi32, #tpu.memory_space<vmem>>
        %dma_wait3A_115 = tpu.memref_squeeze %dma_wait3A_114 : memref<1x128xi32, #tpu.memory_space<vmem>> -> memref<128xi32, #tpu.memory_space<vmem>>
        %dma_wait3A_116 = arith.constant 0 : i32
        %dma_wait3A_117 = arith.constant 0 : i32
        %dma_wait3A_118 = tpu.memref_slice %arg9[%dma_wait3A_116, %dma_wait3A_117] : memref<10112x128xf32, #tpu.memory_space<vmem_shared>> -> memref<10112x128xf32, #tpu.memory_space<vmem_shared>>
        tpu.wait_indirect_dma semaphore(%arg14 : memref<!tpu.dma_semaphore, #tpu.memory_space<semaphore_mem>>) src(%arg10 : memref<128x128xf32, #tpu.memory_space<vmem>>) dst(%dma_wait3A_118 : memref<10112x128xf32, #tpu.memory_space<vmem_shared>>)
        %dma_start3A_119 = arith.constant 0 : i32
        %dma_start3A_120 = tpu.memref_slice %arg7[%add3A_87, %dma_start3A_119] : memref<40x128xi32, #tpu.memory_space<vmem>> -> memref<1x128xi32, #tpu.memory_space<vmem>>
        %dma_start3A_121 = tpu.memref_squeeze %dma_start3A_120 : memref<1x128xi32, #tpu.memory_space<vmem>> -> memref<128xi32, #tpu.memory_space<vmem>>
        %dma_start3A_122 = arith.constant 0 : i32
        %dma_start3A_123 = arith.constant 0 : i32
        %dma_start3A_124 = tpu.memref_slice %arg2[%dma_start3A_122, %dma_start3A_123] : memref<10112x128xf32, #tpu.memory_space<hbm>> -> memref<10112x128xf32, #tpu.memory_space<hbm>>
        tpu.enqueue_indirect_dma source(%dma_start3A_124 : memref<10112x128xf32, #tpu.memory_space<hbm>>) target(%arg10 : memref<128x128xf32, #tpu.memory_space<vmem>>) offsets(%dma_start3A_121 : memref<128xi32, #tpu.memory_space<vmem>>) semaphore(%arg12 : memref<!tpu.dma_semaphore, #tpu.memory_space<semaphore_mem>>)
      } else {
      }
      %mul3A_90 = arith.constant 2 : i32
      %mul3A_91 = arith.muli %scan3A_69, %mul3A_90 : i32
      %add3A_92 = arith.constant 1 : i32
      %add3A_93 = arith.addi %mul3A_91, %add3A_92 : i32
      %dma_wait3A_94 = arith.constant 0 : i32
      %dma_wait3A_95 = tpu.memref_slice %arg7[%add3A_93, %dma_wait3A_94] : memref<40x128xi32, #tpu.memory_space<vmem>> -> memref<1x128xi32, #tpu.memory_space<vmem>>
      %dma_wait3A_96 = tpu.memref_squeeze %dma_wait3A_95 : memref<1x128xi32, #tpu.memory_space<vmem>> -> memref<128xi32, #tpu.memory_space<vmem>>
      %dma_wait3A_97 = arith.constant 0 : i32
      %dma_wait3A_98 = arith.constant 0 : i32
      %dma_wait3A_99 = tpu.memref_slice %arg2[%dma_wait3A_97, %dma_wait3A_98] : memref<10112x128xf32, #tpu.memory_space<hbm>> -> memref<10112x128xf32, #tpu.memory_space<hbm>>
      tpu.wait_indirect_dma semaphore(%arg13 : memref<!tpu.dma_semaphore, #tpu.memory_space<semaphore_mem>>) src(%dma_wait3A_99 : memref<10112x128xf32, #tpu.memory_space<hbm>>) dst(%arg11 : memref<128x128xf32, #tpu.memory_space<vmem>>)
      %dma_start3A_100 = arith.constant 0 : i32
      %dma_start3A_101 = tpu.memref_slice %arg8[%add3A_93, %dma_start3A_100] : memref<40x128xi32, #tpu.memory_space<vmem>> -> memref<1x128xi32, #tpu.memory_space<vmem>>
      %dma_start3A_102 = tpu.memref_squeeze %dma_start3A_101 : memref<1x128xi32, #tpu.memory_space<vmem>> -> memref<128xi32, #tpu.memory_space<vmem>>
      %dma_start3A_103 = arith.constant 0 : i32
      %dma_start3A_104 = arith.constant 0 : i32
      %dma_start3A_105 = tpu.memref_slice %arg9[%dma_start3A_103, %dma_start3A_104] : memref<10112x128xf32, #tpu.memory_space<vmem_shared>> -> memref<10112x128xf32, #tpu.memory_space<vmem_shared>>
      tpu.enqueue_indirect_dma source(%arg11 : memref<128x128xf32, #tpu.memory_space<vmem>>) target(%dma_start3A_105 : memref<10112x128xf32, #tpu.memory_space<vmem_shared>>) offsets(%dma_start3A_102 : memref<128xi32, #tpu.memory_space<vmem>>) semaphore(%arg15 : memref<!tpu.dma_semaphore, #tpu.memory_space<semaphore_mem>>) {add = true}
      %add3A_106 = arith.constant 2 : i32
      %add3A_107 = arith.addi %add3A_93, %add3A_106 : i32
      %lt3A_108 = arith.constant 40 : i32
      %lt3A_109 = arith.cmpi slt, %add3A_107, %lt3A_108 : i32
      %convert_element_type3A_110 = arith.extui %lt3A_109 : i1 to i32
      %cond3A_111 = arith.constant 0 : i32
      %cond3A_112 = arith.cmpi ne, %convert_element_type3A_110, %cond3A_111 : i32
      scf.if %cond3A_112 {
        %dma_wait3A_113 = arith.constant 0 : i32
        %dma_wait3A_114 = tpu.memref_slice %arg8[%add3A_93, %dma_wait3A_113] : memref<40x128xi32, #tpu.memory_space<vmem>> -> memref<1x128xi32, #tpu.memory_space<vmem>>
        %dma_wait3A_115 = tpu.memref_squeeze %dma_wait3A_114 : memref<1x128xi32, #tpu.memory_space<vmem>> -> memref<128xi32, #tpu.memory_space<vmem>>
        %dma_wait3A_116 = arith.constant 0 : i32
        %dma_wait3A_117 = arith.constant 0 : i32
        %dma_wait3A_118 = tpu.memref_slice %arg9[%dma_wait3A_116, %dma_wait3A_117] : memref<10112x128xf32, #tpu.memory_space<vmem_shared>> -> memref<10112x128xf32, #tpu.memory_space<vmem_shared>>
        tpu.wait_indirect_dma semaphore(%arg15 : memref<!tpu.dma_semaphore, #tpu.memory_space<semaphore_mem>>) src(%arg11 : memref<128x128xf32, #tpu.memory_space<vmem>>) dst(%dma_wait3A_118 : memref<10112x128xf32, #tpu.memory_space<vmem_shared>>)
        %dma_start3A_119 = arith.constant 0 : i32
        %dma_start3A_120 = tpu.memref_slice %arg7[%add3A_107, %dma_start3A_119] : memref<40x128xi32, #tpu.memory_space<vmem>> -> memref<1x128xi32, #tpu.memory_space<vmem>>
        %dma_start3A_121 = tpu.memref_squeeze %dma_start3A_120 : memref<1x128xi32, #tpu.memory_space<vmem>> -> memref<128xi32, #tpu.memory_space<vmem>>
        %dma_start3A_122 = arith.constant 0 : i32
        %dma_start3A_123 = arith.constant 0 : i32
        %dma_start3A_124 = tpu.memref_slice %arg2[%dma_start3A_122, %dma_start3A_123] : memref<10112x128xf32, #tpu.memory_space<hbm>> -> memref<10112x128xf32, #tpu.memory_space<hbm>>
        tpu.enqueue_indirect_dma source(%dma_start3A_124 : memref<10112x128xf32, #tpu.memory_space<hbm>>) target(%arg11 : memref<128x128xf32, #tpu.memory_space<vmem>>) offsets(%dma_start3A_121 : memref<128xi32, #tpu.memory_space<vmem>>) semaphore(%arg13 : memref<!tpu.dma_semaphore, #tpu.memory_space<semaphore_mem>>)
      } else {
      }
    }
    %scan3A_20 = arith.constant 20 : i32
    %dma_wait3A = arith.constant 38 : i32
    %dma_wait3A_21 = arith.constant 0 : i32
    %dma_wait3A_22 = tpu.memref_slice %arg8[%dma_wait3A, %dma_wait3A_21] : memref<40x128xi32, #tpu.memory_space<vmem>> -> memref<1x128xi32, #tpu.memory_space<vmem>>
    %dma_wait3A_23 = tpu.memref_squeeze %dma_wait3A_22 : memref<1x128xi32, #tpu.memory_space<vmem>> -> memref<128xi32, #tpu.memory_space<vmem>>
    %dma_wait3A_24 = arith.constant 0 : i32
    %dma_wait3A_25 = arith.constant 0 : i32
    %dma_wait3A_26 = tpu.memref_slice %arg9[%dma_wait3A_24, %dma_wait3A_25] : memref<10112x128xf32, #tpu.memory_space<vmem_shared>> -> memref<10112x128xf32, #tpu.memory_space<vmem_shared>>
    tpu.wait_indirect_dma semaphore(%arg14 : memref<!tpu.dma_semaphore, #tpu.memory_space<semaphore_mem>>) src(%arg10 : memref<128x128xf32, #tpu.memory_space<vmem>>) dst(%dma_wait3A_26 : memref<10112x128xf32, #tpu.memory_space<vmem_shared>>)
    %dma_wait3A_27 = arith.constant 39 : i32
    %dma_wait3A_28 = arith.constant 0 : i32
    %dma_wait3A_29 = tpu.memref_slice %arg8[%dma_wait3A_27, %dma_wait3A_28] : memref<40x128xi32, #tpu.memory_space<vmem>> -> memref<1x128xi32, #tpu.memory_space<vmem>>
    %dma_wait3A_30 = tpu.memref_squeeze %dma_wait3A_29 : memref<1x128xi32, #tpu.memory_space<vmem>> -> memref<128xi32, #tpu.memory_space<vmem>>
    %dma_wait3A_31 = arith.constant 0 : i32
    %dma_wait3A_32 = arith.constant 0 : i32
    %dma_wait3A_33 = tpu.memref_slice %arg9[%dma_wait3A_31, %dma_wait3A_32] : memref<10112x128xf32, #tpu.memory_space<vmem_shared>> -> memref<10112x128xf32, #tpu.memory_space<vmem_shared>>
    tpu.wait_indirect_dma semaphore(%arg15 : memref<!tpu.dma_semaphore, #tpu.memory_space<semaphore_mem>>) src(%arg11 : memref<128x128xf32, #tpu.memory_space<vmem>>) dst(%dma_wait3A_33 : memref<10112x128xf32, #tpu.memory_space<vmem_shared>>)
    "tpu.region"() ({
      %run_scoped3A = tpu.sem_alloc : memref<!tpu.dma_semaphore, #tpu.memory_space<semaphore_mem>>
      %dma_start3A_69 = arith.constant 40 : i32
      %dma_start3A_70 = arith.constant 0 : i32
      %dma_start3A_71 = tpu.memref_slice %arg3[%add3A, %dma_start3A_69, %dma_start3A_70] : memref<32x80x128xi32, #tpu.memory_space<hbm>> -> memref<1x40x128xi32, #tpu.memory_space<hbm>>
      %dma_start3A_72 = tpu.memref_squeeze %dma_start3A_71 : memref<1x40x128xi32, #tpu.memory_space<hbm>> -> memref<40x128xi32, #tpu.memory_space<hbm>>
      %dma_start3A_73 = arith.constant 40 : i32
      %dma_start3A_74 = arith.constant 0 : i32
      %dma_start3A_75 = tpu.memref_slice %arg3[%add3A, %dma_start3A_73, %dma_start3A_74] : memref<32x80x128xi32, #tpu.memory_space<hbm>> -> memref<1x40x128xi32, #tpu.memory_space<hbm>>
      %dma_start3A_76 = tpu.memref_squeeze %dma_start3A_75 : memref<1x40x128xi32, #tpu.memory_space<hbm>> -> memref<40x128xi32, #tpu.memory_space<hbm>>
      tpu.enqueue_dma source(%dma_start3A_76 : memref<40x128xi32, #tpu.memory_space<hbm>>) target(%arg7 : memref<40x128xi32, #tpu.memory_space<vmem>>) target_semaphore(%run_scoped3A : memref<!tpu.dma_semaphore, #tpu.memory_space<semaphore_mem>>)
      %dma_wait3A_77 = arith.constant 40 : i32
      %dma_wait3A_78 = arith.constant 0 : i32
      %dma_wait3A_79 = tpu.memref_slice %arg3[%add3A, %dma_wait3A_77, %dma_wait3A_78] : memref<32x80x128xi32, #tpu.memory_space<hbm>> -> memref<1x40x128xi32, #tpu.memory_space<hbm>>
      %dma_wait3A_80 = tpu.memref_squeeze %dma_wait3A_79 : memref<1x40x128xi32, #tpu.memory_space<hbm>> -> memref<40x128xi32, #tpu.memory_space<hbm>>
      %dma_wait3A_81 = arith.constant 40 : i32
      %dma_wait3A_82 = arith.constant 0 : i32
      %dma_wait3A_83 = tpu.memref_slice %arg3[%add3A, %dma_wait3A_81, %dma_wait3A_82] : memref<32x80x128xi32, #tpu.memory_space<hbm>> -> memref<1x40x128xi32, #tpu.memory_space<hbm>>
      %dma_wait3A_84 = tpu.memref_squeeze %dma_wait3A_83 : memref<1x40x128xi32, #tpu.memory_space<hbm>> -> memref<40x128xi32, #tpu.memory_space<hbm>>
      tpu.wait_dma2 semaphore(%run_scoped3A : memref<!tpu.dma_semaphore, #tpu.memory_space<semaphore_mem>>) src(%dma_wait3A_84 : memref<40x128xi32, #tpu.memory_space<hbm>>) dst(%arg7 : memref<40x128xi32, #tpu.memory_space<vmem>>)
      tpu.yield
    }) : () -> ()
    "tpu.region"() ({
      %run_scoped3A = tpu.sem_alloc : memref<!tpu.dma_semaphore, #tpu.memory_space<semaphore_mem>>
      %dma_start3A_69 = arith.constant 40 : i32
      %dma_start3A_70 = arith.constant 0 : i32
      %dma_start3A_71 = tpu.memref_slice %arg4[%add3A, %dma_start3A_69, %dma_start3A_70] : memref<32x80x128xi32, #tpu.memory_space<hbm>> -> memref<1x40x128xi32, #tpu.memory_space<hbm>>
      %dma_start3A_72 = tpu.memref_squeeze %dma_start3A_71 : memref<1x40x128xi32, #tpu.memory_space<hbm>> -> memref<40x128xi32, #tpu.memory_space<hbm>>
      %dma_start3A_73 = arith.constant 40 : i32
      %dma_start3A_74 = arith.constant 0 : i32
      %dma_start3A_75 = tpu.memref_slice %arg4[%add3A, %dma_start3A_73, %dma_start3A_74] : memref<32x80x128xi32, #tpu.memory_space<hbm>> -> memref<1x40x128xi32, #tpu.memory_space<hbm>>
      %dma_start3A_76 = tpu.memref_squeeze %dma_start3A_75 : memref<1x40x128xi32, #tpu.memory_space<hbm>> -> memref<40x128xi32, #tpu.memory_space<hbm>>
      tpu.enqueue_dma source(%dma_start3A_76 : memref<40x128xi32, #tpu.memory_space<hbm>>) target(%arg8 : memref<40x128xi32, #tpu.memory_space<vmem>>) target_semaphore(%run_scoped3A : memref<!tpu.dma_semaphore, #tpu.memory_space<semaphore_mem>>)
      %dma_wait3A_77 = arith.constant 40 : i32
      %dma_wait3A_78 = arith.constant 0 : i32
      %dma_wait3A_79 = tpu.memref_slice %arg4[%add3A, %dma_wait3A_77, %dma_wait3A_78] : memref<32x80x128xi32, #tpu.memory_space<hbm>> -> memref<1x40x128xi32, #tpu.memory_space<hbm>>
      %dma_wait3A_80 = tpu.memref_squeeze %dma_wait3A_79 : memref<1x40x128xi32, #tpu.memory_space<hbm>> -> memref<40x128xi32, #tpu.memory_space<hbm>>
      %dma_wait3A_81 = arith.constant 40 : i32
      %dma_wait3A_82 = arith.constant 0 : i32
      %dma_wait3A_83 = tpu.memref_slice %arg4[%add3A, %dma_wait3A_81, %dma_wait3A_82] : memref<32x80x128xi32, #tpu.memory_space<hbm>> -> memref<1x40x128xi32, #tpu.memory_space<hbm>>
      %dma_wait3A_84 = tpu.memref_squeeze %dma_wait3A_83 : memref<1x40x128xi32, #tpu.memory_space<hbm>> -> memref<40x128xi32, #tpu.memory_space<hbm>>
      tpu.wait_dma2 semaphore(%run_scoped3A : memref<!tpu.dma_semaphore, #tpu.memory_space<semaphore_mem>>) src(%dma_wait3A_84 : memref<40x128xi32, #tpu.memory_space<hbm>>) dst(%arg8 : memref<40x128xi32, #tpu.memory_space<vmem>>)
      tpu.yield
    }) : () -> ()
    %dma_start3A_34 = arith.constant 0 : i32
    %dma_start3A_35 = arith.constant 0 : i32
    %dma_start3A_36 = tpu.memref_slice %arg7[%dma_start3A_34, %dma_start3A_35] : memref<40x128xi32, #tpu.memory_space<vmem>> -> memref<1x128xi32, #tpu.memory_space<vmem>>
    %dma_start3A_37 = tpu.memref_squeeze %dma_start3A_36 : memref<1x128xi32, #tpu.memory_space<vmem>> -> memref<128xi32, #tpu.memory_space<vmem>>
    %dma_start3A_38 = arith.constant 0 : i32
    %dma_start3A_39 = arith.constant 0 : i32
    %dma_start3A_40 = tpu.memref_slice %arg2[%dma_start3A_38, %dma_start3A_39] : memref<10112x128xf32, #tpu.memory_space<hbm>> -> memref<10112x128xf32, #tpu.memory_space<hbm>>
    tpu.enqueue_indirect_dma source(%dma_start3A_40 : memref<10112x128xf32, #tpu.memory_space<hbm>>) target(%arg10 : memref<128x128xf32, #tpu.memory_space<vmem>>) offsets(%dma_start3A_37 : memref<128xi32, #tpu.memory_space<vmem>>) semaphore(%arg12 : memref<!tpu.dma_semaphore, #tpu.memory_space<semaphore_mem>>)
    %dma_start3A_41 = arith.constant 1 : i32
    %dma_start3A_42 = arith.constant 0 : i32
    %dma_start3A_43 = tpu.memref_slice %arg7[%dma_start3A_41, %dma_start3A_42] : memref<40x128xi32, #tpu.memory_space<vmem>> -> memref<1x128xi32, #tpu.memory_space<vmem>>
    %dma_start3A_44 = tpu.memref_squeeze %dma_start3A_43 : memref<1x128xi32, #tpu.memory_space<vmem>> -> memref<128xi32, #tpu.memory_space<vmem>>
    %dma_start3A_45 = arith.constant 0 : i32
    %dma_start3A_46 = arith.constant 0 : i32
    %dma_start3A_47 = tpu.memref_slice %arg2[%dma_start3A_45, %dma_start3A_46] : memref<10112x128xf32, #tpu.memory_space<hbm>> -> memref<10112x128xf32, #tpu.memory_space<hbm>>
    tpu.enqueue_indirect_dma source(%dma_start3A_47 : memref<10112x128xf32, #tpu.memory_space<hbm>>) target(%arg11 : memref<128x128xf32, #tpu.memory_space<vmem>>) offsets(%dma_start3A_44 : memref<128xi32, #tpu.memory_space<vmem>>) semaphore(%arg13 : memref<!tpu.dma_semaphore, #tpu.memory_space<semaphore_mem>>)
    %scan3A_48 = arith.constant 0 : i32
    %scan3A_49 = arith.constant 0 : i32
    %scan3A_50 = arith.constant 20 : i32
    %scan3A_51 = arith.addi %scan3A_49, %scan3A_50 : i32
    %scan3A_52 = arith.constant 1 : i32
    scf.for %scan3A_69 = %scan3A_49 to %scan3A_51 step %scan3A_52  : i32 {
      %mul3A_70 = arith.constant 2 : i32
      %mul3A_71 = arith.muli %scan3A_69, %mul3A_70 : i32
      %add3A_72 = arith.constant 0 : i32
      %add3A_73 = arith.addi %mul3A_71, %add3A_72 : i32
      %dma_wait3A_74 = arith.constant 0 : i32
      %dma_wait3A_75 = tpu.memref_slice %arg7[%add3A_73, %dma_wait3A_74] : memref<40x128xi32, #tpu.memory_space<vmem>> -> memref<1x128xi32, #tpu.memory_space<vmem>>
      %dma_wait3A_76 = tpu.memref_squeeze %dma_wait3A_75 : memref<1x128xi32, #tpu.memory_space<vmem>> -> memref<128xi32, #tpu.memory_space<vmem>>
      %dma_wait3A_77 = arith.constant 0 : i32
      %dma_wait3A_78 = arith.constant 0 : i32
      %dma_wait3A_79 = tpu.memref_slice %arg2[%dma_wait3A_77, %dma_wait3A_78] : memref<10112x128xf32, #tpu.memory_space<hbm>> -> memref<10112x128xf32, #tpu.memory_space<hbm>>
      tpu.wait_indirect_dma semaphore(%arg12 : memref<!tpu.dma_semaphore, #tpu.memory_space<semaphore_mem>>) src(%dma_wait3A_79 : memref<10112x128xf32, #tpu.memory_space<hbm>>) dst(%arg10 : memref<128x128xf32, #tpu.memory_space<vmem>>)
      %dma_start3A_80 = arith.constant 0 : i32
      %dma_start3A_81 = tpu.memref_slice %arg8[%add3A_73, %dma_start3A_80] : memref<40x128xi32, #tpu.memory_space<vmem>> -> memref<1x128xi32, #tpu.memory_space<vmem>>
      %dma_start3A_82 = tpu.memref_squeeze %dma_start3A_81 : memref<1x128xi32, #tpu.memory_space<vmem>> -> memref<128xi32, #tpu.memory_space<vmem>>
      %dma_start3A_83 = arith.constant 0 : i32
      %dma_start3A_84 = arith.constant 0 : i32
      %dma_start3A_85 = tpu.memref_slice %arg9[%dma_start3A_83, %dma_start3A_84] : memref<10112x128xf32, #tpu.memory_space<vmem_shared>> -> memref<10112x128xf32, #tpu.memory_space<vmem_shared>>
      tpu.enqueue_indirect_dma source(%arg10 : memref<128x128xf32, #tpu.memory_space<vmem>>) target(%dma_start3A_85 : memref<10112x128xf32, #tpu.memory_space<vmem_shared>>) offsets(%dma_start3A_82 : memref<128xi32, #tpu.memory_space<vmem>>) semaphore(%arg14 : memref<!tpu.dma_semaphore, #tpu.memory_space<semaphore_mem>>) {add = true}
      %add3A_86 = arith.constant 2 : i32
      %add3A_87 = arith.addi %add3A_73, %add3A_86 : i32
      %lt3A = arith.constant 40 : i32
      %lt3A_88 = arith.cmpi slt, %add3A_87, %lt3A : i32
      %convert_element_type3A = arith.extui %lt3A_88 : i1 to i32
      %cond3A = arith.constant 0 : i32
      %cond3A_89 = arith.cmpi ne, %convert_element_type3A, %cond3A : i32
      scf.if %cond3A_89 {
        %dma_wait3A_113 = arith.constant 0 : i32
        %dma_wait3A_114 = tpu.memref_slice %arg8[%add3A_73, %dma_wait3A_113] : memref<40x128xi32, #tpu.memory_space<vmem>> -> memref<1x128xi32, #tpu.memory_space<vmem>>
        %dma_wait3A_115 = tpu.memref_squeeze %dma_wait3A_114 : memref<1x128xi32, #tpu.memory_space<vmem>> -> memref<128xi32, #tpu.memory_space<vmem>>
        %dma_wait3A_116 = arith.constant 0 : i32
        %dma_wait3A_117 = arith.constant 0 : i32
        %dma_wait3A_118 = tpu.memref_slice %arg9[%dma_wait3A_116, %dma_wait3A_117] : memref<10112x128xf32, #tpu.memory_space<vmem_shared>> -> memref<10112x128xf32, #tpu.memory_space<vmem_shared>>
        tpu.wait_indirect_dma semaphore(%arg14 : memref<!tpu.dma_semaphore, #tpu.memory_space<semaphore_mem>>) src(%arg10 : memref<128x128xf32, #tpu.memory_space<vmem>>) dst(%dma_wait3A_118 : memref<10112x128xf32, #tpu.memory_space<vmem_shared>>)
        %dma_start3A_119 = arith.constant 0 : i32
        %dma_start3A_120 = tpu.memref_slice %arg7[%add3A_87, %dma_start3A_119] : memref<40x128xi32, #tpu.memory_space<vmem>> -> memref<1x128xi32, #tpu.memory_space<vmem>>
        %dma_start3A_121 = tpu.memref_squeeze %dma_start3A_120 : memref<1x128xi32, #tpu.memory_space<vmem>> -> memref<128xi32, #tpu.memory_space<vmem>>
        %dma_start3A_122 = arith.constant 0 : i32
        %dma_start3A_123 = arith.constant 0 : i32
        %dma_start3A_124 = tpu.memref_slice %arg2[%dma_start3A_122, %dma_start3A_123] : memref<10112x128xf32, #tpu.memory_space<hbm>> -> memref<10112x128xf32, #tpu.memory_space<hbm>>
        tpu.enqueue_indirect_dma source(%dma_start3A_124 : memref<10112x128xf32, #tpu.memory_space<hbm>>) target(%arg10 : memref<128x128xf32, #tpu.memory_space<vmem>>) offsets(%dma_start3A_121 : memref<128xi32, #tpu.memory_space<vmem>>) semaphore(%arg12 : memref<!tpu.dma_semaphore, #tpu.memory_space<semaphore_mem>>)
      } else {
      }
      %mul3A_90 = arith.constant 2 : i32
      %mul3A_91 = arith.muli %scan3A_69, %mul3A_90 : i32
      %add3A_92 = arith.constant 1 : i32
      %add3A_93 = arith.addi %mul3A_91, %add3A_92 : i32
      %dma_wait3A_94 = arith.constant 0 : i32
      %dma_wait3A_95 = tpu.memref_slice %arg7[%add3A_93, %dma_wait3A_94] : memref<40x128xi32, #tpu.memory_space<vmem>> -> memref<1x128xi32, #tpu.memory_space<vmem>>
      %dma_wait3A_96 = tpu.memref_squeeze %dma_wait3A_95 : memref<1x128xi32, #tpu.memory_space<vmem>> -> memref<128xi32, #tpu.memory_space<vmem>>
      %dma_wait3A_97 = arith.constant 0 : i32
      %dma_wait3A_98 = arith.constant 0 : i32
      %dma_wait3A_99 = tpu.memref_slice %arg2[%dma_wait3A_97, %dma_wait3A_98] : memref<10112x128xf32, #tpu.memory_space<hbm>> -> memref<10112x128xf32, #tpu.memory_space<hbm>>
      tpu.wait_indirect_dma semaphore(%arg13 : memref<!tpu.dma_semaphore, #tpu.memory_space<semaphore_mem>>) src(%dma_wait3A_99 : memref<10112x128xf32, #tpu.memory_space<hbm>>) dst(%arg11 : memref<128x128xf32, #tpu.memory_space<vmem>>)
      %dma_start3A_100 = arith.constant 0 : i32
      %dma_start3A_101 = tpu.memref_slice %arg8[%add3A_93, %dma_start3A_100] : memref<40x128xi32, #tpu.memory_space<vmem>> -> memref<1x128xi32, #tpu.memory_space<vmem>>
      %dma_start3A_102 = tpu.memref_squeeze %dma_start3A_101 : memref<1x128xi32, #tpu.memory_space<vmem>> -> memref<128xi32, #tpu.memory_space<vmem>>
      %dma_start3A_103 = arith.constant 0 : i32
      %dma_start3A_104 = arith.constant 0 : i32
      %dma_start3A_105 = tpu.memref_slice %arg9[%dma_start3A_103, %dma_start3A_104] : memref<10112x128xf32, #tpu.memory_space<vmem_shared>> -> memref<10112x128xf32, #tpu.memory_space<vmem_shared>>
      tpu.enqueue_indirect_dma source(%arg11 : memref<128x128xf32, #tpu.memory_space<vmem>>) target(%dma_start3A_105 : memref<10112x128xf32, #tpu.memory_space<vmem_shared>>) offsets(%dma_start3A_102 : memref<128xi32, #tpu.memory_space<vmem>>) semaphore(%arg15 : memref<!tpu.dma_semaphore, #tpu.memory_space<semaphore_mem>>) {add = true}
      %add3A_106 = arith.constant 2 : i32
      %add3A_107 = arith.addi %add3A_93, %add3A_106 : i32
      %lt3A_108 = arith.constant 40 : i32
      %lt3A_109 = arith.cmpi slt, %add3A_107, %lt3A_108 : i32
      %convert_element_type3A_110 = arith.extui %lt3A_109 : i1 to i32
      %cond3A_111 = arith.constant 0 : i32
      %cond3A_112 = arith.cmpi ne, %convert_element_type3A_110, %cond3A_111 : i32
      scf.if %cond3A_112 {
        %dma_wait3A_113 = arith.constant 0 : i32
        %dma_wait3A_114 = tpu.memref_slice %arg8[%add3A_93, %dma_wait3A_113] : memref<40x128xi32, #tpu.memory_space<vmem>> -> memref<1x128xi32, #tpu.memory_space<vmem>>
        %dma_wait3A_115 = tpu.memref_squeeze %dma_wait3A_114 : memref<1x128xi32, #tpu.memory_space<vmem>> -> memref<128xi32, #tpu.memory_space<vmem>>
        %dma_wait3A_116 = arith.constant 0 : i32
        %dma_wait3A_117 = arith.constant 0 : i32
        %dma_wait3A_118 = tpu.memref_slice %arg9[%dma_wait3A_116, %dma_wait3A_117] : memref<10112x128xf32, #tpu.memory_space<vmem_shared>> -> memref<10112x128xf32, #tpu.memory_space<vmem_shared>>
        tpu.wait_indirect_dma semaphore(%arg15 : memref<!tpu.dma_semaphore, #tpu.memory_space<semaphore_mem>>) src(%arg11 : memref<128x128xf32, #tpu.memory_space<vmem>>) dst(%dma_wait3A_118 : memref<10112x128xf32, #tpu.memory_space<vmem_shared>>)
        %dma_start3A_119 = arith.constant 0 : i32
        %dma_start3A_120 = tpu.memref_slice %arg7[%add3A_107, %dma_start3A_119] : memref<40x128xi32, #tpu.memory_space<vmem>> -> memref<1x128xi32, #tpu.memory_space<vmem>>
        %dma_start3A_121 = tpu.memref_squeeze %dma_start3A_120 : memref<1x128xi32, #tpu.memory_space<vmem>> -> memref<128xi32, #tpu.memory_space<vmem>>
        %dma_start3A_122 = arith.constant 0 : i32
        %dma_start3A_123 = arith.constant 0 : i32
        %dma_start3A_124 = tpu.memref_slice %arg2[%dma_start3A_122, %dma_start3A_123] : memref<10112x128xf32, #tpu.memory_space<hbm>> -> memref<10112x128xf32, #tpu.memory_space<hbm>>
        tpu.enqueue_indirect_dma source(%dma_start3A_124 : memref<10112x128xf32, #tpu.memory_space<hbm>>) target(%arg11 : memref<128x128xf32, #tpu.memory_space<vmem>>) offsets(%dma_start3A_121 : memref<128xi32, #tpu.memory_space<vmem>>) semaphore(%arg13 : memref<!tpu.dma_semaphore, #tpu.memory_space<semaphore_mem>>)
      } else {
      }
    }
    %scan3A_53 = arith.constant 20 : i32
    %dma_wait3A_54 = arith.constant 38 : i32
    %dma_wait3A_55 = arith.constant 0 : i32
    %dma_wait3A_56 = tpu.memref_slice %arg8[%dma_wait3A_54, %dma_wait3A_55] : memref<40x128xi32, #tpu.memory_space<vmem>> -> memref<1x128xi32, #tpu.memory_space<vmem>>
    %dma_wait3A_57 = tpu.memref_squeeze %dma_wait3A_56 : memref<1x128xi32, #tpu.memory_space<vmem>> -> memref<128xi32, #tpu.memory_space<vmem>>
    %dma_wait3A_58 = arith.constant 0 : i32
    %dma_wait3A_59 = arith.constant 0 : i32
    %dma_wait3A_60 = tpu.memref_slice %arg9[%dma_wait3A_58, %dma_wait3A_59] : memref<10112x128xf32, #tpu.memory_space<vmem_shared>> -> memref<10112x128xf32, #tpu.memory_space<vmem_shared>>
    tpu.wait_indirect_dma semaphore(%arg14 : memref<!tpu.dma_semaphore, #tpu.memory_space<semaphore_mem>>) src(%arg10 : memref<128x128xf32, #tpu.memory_space<vmem>>) dst(%dma_wait3A_60 : memref<10112x128xf32, #tpu.memory_space<vmem_shared>>)
    %dma_wait3A_61 = arith.constant 39 : i32
    %dma_wait3A_62 = arith.constant 0 : i32
    %dma_wait3A_63 = tpu.memref_slice %arg8[%dma_wait3A_61, %dma_wait3A_62] : memref<40x128xi32, #tpu.memory_space<vmem>> -> memref<1x128xi32, #tpu.memory_space<vmem>>
    %dma_wait3A_64 = tpu.memref_squeeze %dma_wait3A_63 : memref<1x128xi32, #tpu.memory_space<vmem>> -> memref<128xi32, #tpu.memory_space<vmem>>
    %dma_wait3A_65 = arith.constant 0 : i32
    %dma_wait3A_66 = arith.constant 0 : i32
    %dma_wait3A_67 = tpu.memref_slice %arg9[%dma_wait3A_65, %dma_wait3A_66] : memref<10112x128xf32, #tpu.memory_space<vmem_shared>> -> memref<10112x128xf32, #tpu.memory_space<vmem_shared>>
    tpu.wait_indirect_dma semaphore(%arg15 : memref<!tpu.dma_semaphore, #tpu.memory_space<semaphore_mem>>) src(%arg11 : memref<128x128xf32, #tpu.memory_space<vmem>>) dst(%dma_wait3A_67 : memref<10112x128xf32, #tpu.memory_space<vmem_shared>>)
    %barrier3A_68 = arith.constant 0 : index
    tpu.barrier barrier_id(%barrier3A_68)
    "tpu.region"() ({
      %run_scoped3A = tpu.sem_alloc : memref<!tpu.dma_semaphore, #tpu.memory_space<semaphore_mem>>
      %dma_start3A_69 = arith.constant 0 : i32
      %dma_start3A_70 = tpu.memref_slice %arg6[%arg0, %mul3A_0, %dma_start3A_69] : memref<2x10112x128xf32, #tpu.memory_space<hbm>> -> memref<1x632x128xf32, #tpu.memory_space<hbm>>
      %dma_start3A_71 = tpu.memref_squeeze %dma_start3A_70 : memref<1x632x128xf32, #tpu.memory_space<hbm>> -> memref<632x128xf32, #tpu.memory_space<hbm>>
      %dma_start3A_72 = arith.constant 0 : i32
      %dma_start3A_73 = tpu.memref_slice %arg9[%mul3A_0, %dma_start3A_72] : memref<10112x128xf32, #tpu.memory_space<vmem_shared>> -> memref<632x128xf32, #tpu.memory_space<vmem_shared>>
      tpu.enqueue_dma source(%dma_start3A_73 : memref<632x128xf32, #tpu.memory_space<vmem_shared>>) target(%dma_start3A_71 : memref<632x128xf32, #tpu.memory_space<hbm>>) target_semaphore(%run_scoped3A : memref<!tpu.dma_semaphore, #tpu.memory_space<semaphore_mem>>)
      %dma_wait3A_74 = arith.constant 0 : i32
      %dma_wait3A_75 = tpu.memref_slice %arg6[%arg0, %mul3A_0, %dma_wait3A_74] : memref<2x10112x128xf32, #tpu.memory_space<hbm>> -> memref<1x632x128xf32, #tpu.memory_space<hbm>>
      %dma_wait3A_76 = tpu.memref_squeeze %dma_wait3A_75 : memref<1x632x128xf32, #tpu.memory_space<hbm>> -> memref<632x128xf32, #tpu.memory_space<hbm>>
      %dma_wait3A_77 = arith.constant 0 : i32
      %dma_wait3A_78 = tpu.memref_slice %arg9[%mul3A_0, %dma_wait3A_77] : memref<10112x128xf32, #tpu.memory_space<vmem_shared>> -> memref<632x128xf32, #tpu.memory_space<vmem_shared>>
      tpu.wait_dma2 semaphore(%run_scoped3A : memref<!tpu.dma_semaphore, #tpu.memory_space<semaphore_mem>>) src(%dma_wait3A_78 : memref<632x128xf32, #tpu.memory_space<vmem_shared>>) dst(%dma_wait3A_76 : memref<632x128xf32, #tpu.memory_space<hbm>>)
      tpu.yield
    }) : () -> ()
    return
  }
}

#map = affine_map<(d0, d1) -> (0, 0, 0)>
#map1 = affine_map<(d0, d1) -> (0, 0)>
module attributes {stable_mosaic.version = 14 : i64} {
  func.func @body(%arg0: i32, %arg1: i32, %arg2: memref<32x80x128xi32, #tpu.memory_space<hbm>>, %arg3: memref<632x128xf32, #tpu.memory_space<hbm>>, %arg4: memref<128x128xf32, #tpu.memory_space<hbm>>, %arg5: memref<2x10112x128xf32, #tpu.memory_space<hbm>>, %arg6: memref<80x128xi32, #tpu.memory_space<vmem>>, %arg7: memref<128x128xf32, #tpu.memory_space<vmem>>, %arg8: memref<10112x128xf32, #tpu.memory_space<vmem_shared>>) attributes {dimension_semantics = [#tpu.dimension_semantics<core_parallel>, #tpu.dimension_semantics<subcore_parallel>], iteration_bounds = array<i64: 2, 16>, scalar_prefetch = 0 : i64, scratch_operands = 3 : i64, tpu.core_type = #tpu.core_type<sc_vector_subcore>, window_params = [{transform_indices = #map}, {transform_indices = #map1}, {transform_indices = #map1}, {transform_indices = #map}]} {
    %mul3A = arith.constant 632 : i32
    %mul3A_0 = arith.muli %arg1, %mul3A : i32
    "tpu.region"() ({
      %run_scoped3A = tpu.sem_alloc : memref<!tpu.dma_semaphore, #tpu.memory_space<semaphore_mem>>
      %dma_start3A = arith.constant 0 : i32
      %dma_start3A_9 = tpu.memref_slice %arg8[%mul3A_0, %dma_start3A] : memref<10112x128xf32, #tpu.memory_space<vmem_shared>> -> memref<632x128xf32, #tpu.memory_space<vmem_shared>>
      tpu.enqueue_dma source(%arg3 : memref<632x128xf32, #tpu.memory_space<hbm>>) target(%dma_start3A_9 : memref<632x128xf32, #tpu.memory_space<vmem_shared>>) target_semaphore(%run_scoped3A : memref<!tpu.dma_semaphore, #tpu.memory_space<semaphore_mem>>)
      %dma_wait3A = arith.constant 0 : i32
      %dma_wait3A_10 = tpu.memref_slice %arg8[%mul3A_0, %dma_wait3A] : memref<10112x128xf32, #tpu.memory_space<vmem_shared>> -> memref<632x128xf32, #tpu.memory_space<vmem_shared>>
      tpu.wait_dma2 semaphore(%run_scoped3A : memref<!tpu.dma_semaphore, #tpu.memory_space<semaphore_mem>>) src(%arg3 : memref<632x128xf32, #tpu.memory_space<hbm>>) dst(%dma_wait3A_10 : memref<632x128xf32, #tpu.memory_space<vmem_shared>>)
      tpu.yield
    }) : () -> ()
    "tpu.region"() ({
      %run_scoped3A = tpu.sem_alloc : memref<!tpu.dma_semaphore, #tpu.memory_space<semaphore_mem>>
      tpu.enqueue_dma source(%arg4 : memref<128x128xf32, #tpu.memory_space<hbm>>) target(%arg7 : memref<128x128xf32, #tpu.memory_space<vmem>>) target_semaphore(%run_scoped3A : memref<!tpu.dma_semaphore, #tpu.memory_space<semaphore_mem>>)
      tpu.wait_dma2 semaphore(%run_scoped3A : memref<!tpu.dma_semaphore, #tpu.memory_space<semaphore_mem>>) src(%arg4 : memref<128x128xf32, #tpu.memory_space<hbm>>) dst(%arg7 : memref<128x128xf32, #tpu.memory_space<vmem>>)
      tpu.yield
    }) : () -> ()
    %mul3A_1 = arith.constant 16 : i32
    %mul3A_2 = arith.muli %arg0, %mul3A_1 : i32
    %add3A = arith.addi %mul3A_2, %arg1 : i32
    "tpu.region"() ({
      %run_scoped3A = tpu.sem_alloc : memref<!tpu.dma_semaphore, #tpu.memory_space<semaphore_mem>>
      %dma_start3A = arith.constant 0 : i32
      %dma_start3A_9 = arith.constant 0 : i32
      %dma_start3A_10 = tpu.memref_slice %arg2[%add3A, %dma_start3A, %dma_start3A_9] : memref<32x80x128xi32, #tpu.memory_space<hbm>> -> memref<1x80x128xi32, #tpu.memory_space<hbm>>
      %dma_start3A_11 = tpu.memref_squeeze %dma_start3A_10 : memref<1x80x128xi32, #tpu.memory_space<hbm>> -> memref<80x128xi32, #tpu.memory_space<hbm>>
      %dma_start3A_12 = arith.constant 0 : i32
      %dma_start3A_13 = arith.constant 0 : i32
      %dma_start3A_14 = tpu.memref_slice %arg2[%add3A, %dma_start3A_12, %dma_start3A_13] : memref<32x80x128xi32, #tpu.memory_space<hbm>> -> memref<1x80x128xi32, #tpu.memory_space<hbm>>
      %dma_start3A_15 = tpu.memref_squeeze %dma_start3A_14 : memref<1x80x128xi32, #tpu.memory_space<hbm>> -> memref<80x128xi32, #tpu.memory_space<hbm>>
      tpu.enqueue_dma source(%dma_start3A_15 : memref<80x128xi32, #tpu.memory_space<hbm>>) target(%arg6 : memref<80x128xi32, #tpu.memory_space<vmem>>) target_semaphore(%run_scoped3A : memref<!tpu.dma_semaphore, #tpu.memory_space<semaphore_mem>>)
      %dma_wait3A = arith.constant 0 : i32
      %dma_wait3A_16 = arith.constant 0 : i32
      %dma_wait3A_17 = tpu.memref_slice %arg2[%add3A, %dma_wait3A, %dma_wait3A_16] : memref<32x80x128xi32, #tpu.memory_space<hbm>> -> memref<1x80x128xi32, #tpu.memory_space<hbm>>
      %dma_wait3A_18 = tpu.memref_squeeze %dma_wait3A_17 : memref<1x80x128xi32, #tpu.memory_space<hbm>> -> memref<80x128xi32, #tpu.memory_space<hbm>>
      %dma_wait3A_19 = arith.constant 0 : i32
      %dma_wait3A_20 = arith.constant 0 : i32
      %dma_wait3A_21 = tpu.memref_slice %arg2[%add3A, %dma_wait3A_19, %dma_wait3A_20] : memref<32x80x128xi32, #tpu.memory_space<hbm>> -> memref<1x80x128xi32, #tpu.memory_space<hbm>>
      %dma_wait3A_22 = tpu.memref_squeeze %dma_wait3A_21 : memref<1x80x128xi32, #tpu.memory_space<hbm>> -> memref<80x128xi32, #tpu.memory_space<hbm>>
      tpu.wait_dma2 semaphore(%run_scoped3A : memref<!tpu.dma_semaphore, #tpu.memory_space<semaphore_mem>>) src(%dma_wait3A_22 : memref<80x128xi32, #tpu.memory_space<hbm>>) dst(%arg6 : memref<80x128xi32, #tpu.memory_space<vmem>>)
      tpu.yield
    }) : () -> ()
    %barrier3A = arith.constant 0 : index
    tpu.barrier barrier_id(%barrier3A)
    %scan3A = arith.constant 0 : i32
    %scan3A_3 = arith.constant 0 : i32
    %scan3A_4 = arith.constant 80 : i32
    %scan3A_5 = arith.addi %scan3A_3, %scan3A_4 : i32
    %scan3A_6 = arith.constant 1 : i32
    scf.for %scan3A_9 = %scan3A_3 to %scan3A_5 step %scan3A_6  : i32 {
      "tpu.region"() ({
        %run_scoped3A = tpu.sem_alloc : memref<!tpu.dma_semaphore, #tpu.memory_space<semaphore_mem>>
        %dma_start3A = arith.constant 0 : i32
        %dma_start3A_10 = tpu.memref_slice %arg6[%scan3A_9, %dma_start3A] : memref<80x128xi32, #tpu.memory_space<vmem>> -> memref<1x128xi32, #tpu.memory_space<vmem>>
        %dma_start3A_11 = tpu.memref_squeeze %dma_start3A_10 : memref<1x128xi32, #tpu.memory_space<vmem>> -> memref<128xi32, #tpu.memory_space<vmem>>
        %dma_start3A_12 = arith.constant 0 : i32
        %dma_start3A_13 = arith.constant 0 : i32
        %dma_start3A_14 = tpu.memref_slice %arg8[%dma_start3A_12, %dma_start3A_13] : memref<10112x128xf32, #tpu.memory_space<vmem_shared>> -> memref<10112x128xf32, #tpu.memory_space<vmem_shared>>
        tpu.enqueue_indirect_dma source(%arg7 : memref<128x128xf32, #tpu.memory_space<vmem>>) target(%dma_start3A_14 : memref<10112x128xf32, #tpu.memory_space<vmem_shared>>) offsets(%dma_start3A_11 : memref<128xi32, #tpu.memory_space<vmem>>) semaphore(%run_scoped3A : memref<!tpu.dma_semaphore, #tpu.memory_space<semaphore_mem>>) {add = true}
        %dma_wait3A = arith.constant 0 : i32
        %dma_wait3A_15 = tpu.memref_slice %arg6[%scan3A_9, %dma_wait3A] : memref<80x128xi32, #tpu.memory_space<vmem>> -> memref<1x128xi32, #tpu.memory_space<vmem>>
        %dma_wait3A_16 = tpu.memref_squeeze %dma_wait3A_15 : memref<1x128xi32, #tpu.memory_space<vmem>> -> memref<128xi32, #tpu.memory_space<vmem>>
        %dma_wait3A_17 = arith.constant 0 : i32
        %dma_wait3A_18 = arith.constant 0 : i32
        %dma_wait3A_19 = tpu.memref_slice %arg8[%dma_wait3A_17, %dma_wait3A_18] : memref<10112x128xf32, #tpu.memory_space<vmem_shared>> -> memref<10112x128xf32, #tpu.memory_space<vmem_shared>>
        tpu.wait_indirect_dma semaphore(%run_scoped3A : memref<!tpu.dma_semaphore, #tpu.memory_space<semaphore_mem>>) src(%arg7 : memref<128x128xf32, #tpu.memory_space<vmem>>) dst(%dma_wait3A_19 : memref<10112x128xf32, #tpu.memory_space<vmem_shared>>)
        tpu.yield
      }) : () -> ()
    }
    %scan3A_7 = arith.constant 80 : i32
    %barrier3A_8 = arith.constant 0 : index
    tpu.barrier barrier_id(%barrier3A_8)
    "tpu.region"() ({
      %run_scoped3A = tpu.sem_alloc : memref<!tpu.dma_semaphore, #tpu.memory_space<semaphore_mem>>
      %dma_start3A = arith.constant 0 : i32
      %dma_start3A_9 = tpu.memref_slice %arg5[%arg0, %mul3A_0, %dma_start3A] : memref<2x10112x128xf32, #tpu.memory_space<hbm>> -> memref<1x632x128xf32, #tpu.memory_space<hbm>>
      %dma_start3A_10 = tpu.memref_squeeze %dma_start3A_9 : memref<1x632x128xf32, #tpu.memory_space<hbm>> -> memref<632x128xf32, #tpu.memory_space<hbm>>
      %dma_start3A_11 = arith.constant 0 : i32
      %dma_start3A_12 = tpu.memref_slice %arg8[%mul3A_0, %dma_start3A_11] : memref<10112x128xf32, #tpu.memory_space<vmem_shared>> -> memref<632x128xf32, #tpu.memory_space<vmem_shared>>
      tpu.enqueue_dma source(%dma_start3A_12 : memref<632x128xf32, #tpu.memory_space<vmem_shared>>) target(%dma_start3A_10 : memref<632x128xf32, #tpu.memory_space<hbm>>) target_semaphore(%run_scoped3A : memref<!tpu.dma_semaphore, #tpu.memory_space<semaphore_mem>>)
      %dma_wait3A = arith.constant 0 : i32
      %dma_wait3A_13 = tpu.memref_slice %arg5[%arg0, %mul3A_0, %dma_wait3A] : memref<2x10112x128xf32, #tpu.memory_space<hbm>> -> memref<1x632x128xf32, #tpu.memory_space<hbm>>
      %dma_wait3A_14 = tpu.memref_squeeze %dma_wait3A_13 : memref<1x632x128xf32, #tpu.memory_space<hbm>> -> memref<632x128xf32, #tpu.memory_space<hbm>>
      %dma_wait3A_15 = arith.constant 0 : i32
      %dma_wait3A_16 = tpu.memref_slice %arg8[%mul3A_0, %dma_wait3A_15] : memref<10112x128xf32, #tpu.memory_space<vmem_shared>> -> memref<632x128xf32, #tpu.memory_space<vmem_shared>>
      tpu.wait_dma2 semaphore(%run_scoped3A : memref<!tpu.dma_semaphore, #tpu.memory_space<semaphore_mem>>) src(%dma_wait3A_16 : memref<632x128xf32, #tpu.memory_space<vmem_shared>>) dst(%dma_wait3A_14 : memref<632x128xf32, #tpu.memory_space<hbm>>)
      tpu.yield
    }) : () -> ()
    return
  }
}

module attributes {stable_mosaic.version = 14 : i64} {
  func.func @body(%arg0: i32, %arg1: memref<1000x128xf32, #tpu.memory_space<vmem>>, %arg2: memref<128x128xf32, #tpu.memory_space<vmem>>, %arg3: memref<1x128xf32, #tpu.memory_space<vmem>>, %arg4: memref<1000x128xf32, #tpu.memory_space<vmem>>) attributes {dimension_semantics = [#tpu.dimension_semantics<arbitrary>], iteration_bounds = array<i64: 10>, scalar_prefetch = 0 : i64, scratch_operands = 0 : i64, tpu.core_type = #tpu.core_type<tc>, window_params = [{transform_indices = @transform_0, window_bounds = array<i64: 1000, 128>}, {pipeline_mode = #tpu.pipeline_mode<synchronous>, transform_indices = @transform_1, window_bounds = array<i64: 128, 128>}, {pipeline_mode = #tpu.pipeline_mode<synchronous>, transform_indices = @transform_2, window_bounds = array<i64: 1, 128>}, {transform_indices = @transform_3, window_bounds = array<i64: 1000, 128>}]} {
    %get3A = arith.constant 0 : index
    %get3A_0 = arith.constant 0 : index
    %get3A_1 = vector.load %arg1[%get3A, %get3A_0] : memref<1000x128xf32, #tpu.memory_space<vmem>>, vector<1000x128xf32>
    %get3A_2 = arith.constant 0 : index
    %get3A_3 = arith.constant 0 : index
    %get3A_4 = vector.load %arg2[%get3A_2, %get3A_3] : memref<128x128xf32, #tpu.memory_space<vmem>>, vector<128x128xf32>
    %dot_general3A = arith.constant dense<0.000000e+00> : vector<1000x128xf32>
    %dot_general3A_5 = tpu.matmul %get3A_1, %get3A_4, %dot_general3A {dimension_numbers = #tpu.dot_dimension_numbers<[1], [1], [0], [0], [0, 0, 1, 0], [], []>, transpose_lhs_hint = false} : vector<1000x128xf32>, vector<128x128xf32>, vector<1000x128xf32> -> vector<1000x128xf32>
    %get3A_6 = arith.constant 0 : index
    %get3A_7 = arith.constant 0 : index
    %get3A_8 = vector.load %arg3[%get3A_6, %get3A_7] : memref<1x128xf32, #tpu.memory_space<vmem>>, vector<1x128xf32>
    %add3A = vector.broadcast %get3A_8 : vector<1x128xf32> to vector<1000x128xf32>
    %add3A_9 = arith.addf %dot_general3A_5, %add3A : vector<1000x128xf32>
    %swap3A = arith.constant 0 : index
    %swap3A_10 = arith.constant 0 : index
    %swap3A_11 = vector.load %arg4[%swap3A, %swap3A_10] : memref<1000x128xf32, #tpu.memory_space<vmem>>, vector<1000x128xf32>
    tpu.vector_store %arg4[%swap3A, %swap3A_10], %add3A_9 {strides = array<i32>} : memref<1000x128xf32, #tpu.memory_space<vmem>>, vector<1000x128xf32>,
    return
  }
  func.func @transform_0(%arg0: i32) -> (i32, i32) {
    %c0_i32 = arith.constant 0 : i32
    %c0_i32_0 = arith.constant 0 : i32
    return %arg0, %c0_i32 : i32, i32
  }
  func.func @transform_1(%arg0: i32) -> (i32, i32) {
    %c0_i32 = arith.constant 0 : i32
    %c0_i32_0 = arith.constant 0 : i32
    %c0_i32_1 = arith.constant 0 : i32
    return %c0_i32, %c0_i32_0 : i32, i32
  }
  func.func @transform_2(%arg0: i32) -> (i32, i32) {
    %c0_i32 = arith.constant 0 : i32
    %c0_i32_0 = arith.constant 0 : i32
    %c0_i32_1 = arith.constant 0 : i32
    return %c0_i32, %c0_i32_0 : i32, i32
  }
  func.func @transform_3(%arg0: i32) -> (i32, i32) {
    %c0_i32 = arith.constant 0 : i32
    %c0_i32_0 = arith.constant 0 : i32
    return %arg0, %c0_i32 : i32, i32
  }
}

module attributes {stable_mosaic.version = 14 : i64} {
  func.func @body(%arg0: memref<2x10112x128xf32, #tpu.memory_space<vmem>>, %arg1: memref<2x10112x128xf32, #tpu.memory_space<vmem>>, %arg2: memref<128x128xf32, #tpu.memory_space<vmem>>, %arg3: memref<1x128xf32, #tpu.memory_space<vmem>>, %arg4: memref<10112x128xf32, #tpu.memory_space<vmem>>) attributes {dimension_semantics = [], scalar_prefetch = 0 : i64, scratch_operands = 0 : i64, tpu.core_type = #tpu.core_type<tc>} {
    %get3A = arith.constant 0 : index
    %get3A_0 = arith.constant 0 : index
    %get3A_1 = arith.constant 0 : index
    %get3A_2 = vector.load %arg0[%get3A, %get3A_0, %get3A_1] : memref<2x10112x128xf32, #tpu.memory_space<vmem>>, vector<1x10112x128xf32>
    %get3A_3 = vector.shape_cast %get3A_2 : vector<1x10112x128xf32> to vector<10112x128xf32>
    %get3A_4 = arith.constant 1 : index
    %get3A_5 = arith.constant 0 : index
    %get3A_6 = arith.constant 0 : index
    %get3A_7 = vector.load %arg0[%get3A_4, %get3A_5, %get3A_6] : memref<2x10112x128xf32, #tpu.memory_space<vmem>>, vector<1x10112x128xf32>
    %get3A_8 = vector.shape_cast %get3A_7 : vector<1x10112x128xf32> to vector<10112x128xf32>
    %add3A = arith.addf %get3A_3, %get3A_8 : vector<10112x128xf32>
    %get3A_9 = arith.constant 0 : index
    %get3A_10 = arith.constant 0 : index
    %get3A_11 = arith.constant 0 : index
    %get3A_12 = vector.load %arg1[%get3A_9, %get3A_10, %get3A_11] : memref<2x10112x128xf32, #tpu.memory_space<vmem>>, vector<1x10112x128xf32>
    %get3A_13 = vector.shape_cast %get3A_12 : vector<1x10112x128xf32> to vector<10112x128xf32>
    %get3A_14 = arith.constant 1 : index
    %get3A_15 = arith.constant 0 : index
    %get3A_16 = arith.constant 0 : index
    %get3A_17 = vector.load %arg1[%get3A_14, %get3A_15, %get3A_16] : memref<2x10112x128xf32, #tpu.memory_space<vmem>>, vector<1x10112x128xf32>
    %get3A_18 = vector.shape_cast %get3A_17 : vector<1x10112x128xf32> to vector<10112x128xf32>
    %add3A_19 = arith.addf %get3A_13, %get3A_18 : vector<10112x128xf32>
    %slice3A = vector.extract_strided_slice %add3A_19 {offsets = [0, 0], sizes = [10112, 1], strides = [1, 1]} : vector<10112x128xf32> to vector<10112x1xf32>
    %max3A = arith.constant 1.000000e+00 : f32
    %max3A_20 = vector.broadcast %max3A : f32 to vector<10112x1xf32>
    %max3A_21 = arith.maximumf %slice3A, %max3A_20 : vector<10112x1xf32>
    %div3A = vector.broadcast %max3A_21 : vector<10112x1xf32> to vector<10112x128xf32>
    %div3A_22 = arith.divf %add3A, %div3A : vector<10112x128xf32>
    %max3A_23 = arith.constant 0.000000e+00 : f32
    %max3A_24 = vector.broadcast %max3A_23 : f32 to vector<10112x128xf32>
    %max3A_25 = arith.maximumf %div3A_22, %max3A_24 : vector<10112x128xf32>
    %get3A_26 = arith.constant 0 : index
    %get3A_27 = arith.constant 0 : index
    %get3A_28 = vector.load %arg2[%get3A_26, %get3A_27] : memref<128x128xf32, #tpu.memory_space<vmem>>, vector<128x128xf32>
    %dot_general3A = arith.constant dense<0.000000e+00> : vector<10112x128xf32>
    %dot_general3A_29 = tpu.matmul %max3A_25, %get3A_28, %dot_general3A {dimension_numbers = #tpu.dot_dimension_numbers<[1], [1], [0], [0], [0, 0, 1, 0], [], []>, transpose_lhs_hint = false} : vector<10112x128xf32>, vector<128x128xf32>, vector<10112x128xf32> -> vector<10112x128xf32>
    %get3A_30 = arith.constant 0 : index
    %get3A_31 = arith.constant 0 : index
    %get3A_32 = vector.load %arg3[%get3A_30, %get3A_31] : memref<1x128xf32, #tpu.memory_space<vmem>>, vector<1x128xf32>
    %add3A_33 = vector.broadcast %get3A_32 : vector<1x128xf32> to vector<10112x128xf32>
    %add3A_34 = arith.addf %dot_general3A_29, %add3A_33 : vector<10112x128xf32>
    %swap3A = arith.constant 0 : index
    %swap3A_35 = arith.constant 0 : index
    %swap3A_36 = vector.load %arg4[%swap3A, %swap3A_35] : memref<10112x128xf32, #tpu.memory_space<vmem>>, vector<10112x128xf32>
    tpu.vector_store %arg4[%swap3A, %swap3A_35], %add3A_34 {strides = array<i32>} : memref<10112x128xf32, #tpu.memory_space<vmem>>, vector<10112x128xf32>,
    return
  }
}

module attributes {stable_mosaic.version = 14 : i64} {
  func.func @body(%arg0: memref<2x10112x128xf32, #tpu.memory_space<vmem>>, %arg1: memref<2x10112x128xf32, #tpu.memory_space<vmem>>, %arg2: memref<10112x128xf32, #tpu.memory_space<vmem>>) attributes {dimension_semantics = [], scalar_prefetch = 0 : i64, scratch_operands = 0 : i64, tpu.core_type = #tpu.core_type<tc>} {
    %get3A = arith.constant 0 : index
    %get3A_0 = arith.constant 0 : index
    %get3A_1 = arith.constant 0 : index
    %get3A_2 = vector.load %arg0[%get3A, %get3A_0, %get3A_1] : memref<2x10112x128xf32, #tpu.memory_space<vmem>>, vector<1x10112x128xf32>
    %get3A_3 = vector.shape_cast %get3A_2 : vector<1x10112x128xf32> to vector<10112x128xf32>
    %get3A_4 = arith.constant 1 : index
    %get3A_5 = arith.constant 0 : index
    %get3A_6 = arith.constant 0 : index
    %get3A_7 = vector.load %arg0[%get3A_4, %get3A_5, %get3A_6] : memref<2x10112x128xf32, #tpu.memory_space<vmem>>, vector<1x10112x128xf32>
    %get3A_8 = vector.shape_cast %get3A_7 : vector<1x10112x128xf32> to vector<10112x128xf32>
    %add3A = arith.addf %get3A_3, %get3A_8 : vector<10112x128xf32>
    %get3A_9 = arith.constant 0 : index
    %get3A_10 = arith.constant 0 : index
    %get3A_11 = arith.constant 0 : index
    %get3A_12 = vector.load %arg1[%get3A_9, %get3A_10, %get3A_11] : memref<2x10112x128xf32, #tpu.memory_space<vmem>>, vector<1x10112x128xf32>
    %get3A_13 = vector.shape_cast %get3A_12 : vector<1x10112x128xf32> to vector<10112x128xf32>
    %get3A_14 = arith.constant 1 : index
    %get3A_15 = arith.constant 0 : index
    %get3A_16 = arith.constant 0 : index
    %get3A_17 = vector.load %arg1[%get3A_14, %get3A_15, %get3A_16] : memref<2x10112x128xf32, #tpu.memory_space<vmem>>, vector<1x10112x128xf32>
    %get3A_18 = vector.shape_cast %get3A_17 : vector<1x10112x128xf32> to vector<10112x128xf32>
    %add3A_19 = arith.addf %get3A_13, %get3A_18 : vector<10112x128xf32>
    %slice3A = vector.extract_strided_slice %add3A_19 {offsets = [0, 0], sizes = [10112, 1], strides = [1, 1]} : vector<10112x128xf32> to vector<10112x1xf32>
    %max3A = arith.constant 1.000000e+00 : f32
    %max3A_20 = vector.broadcast %max3A : f32 to vector<10112x1xf32>
    %max3A_21 = arith.maximumf %slice3A, %max3A_20 : vector<10112x1xf32>
    %div3A = vector.broadcast %max3A_21 : vector<10112x1xf32> to vector<10112x128xf32>
    %div3A_22 = arith.divf %add3A, %div3A : vector<10112x128xf32>
    %swap3A = arith.constant 0 : index
    %swap3A_23 = arith.constant 0 : index
    %swap3A_24 = vector.load %arg2[%swap3A, %swap3A_23] : memref<10112x128xf32, #tpu.memory_space<vmem>>, vector<10112x128xf32>
    tpu.vector_store %arg2[%swap3A, %swap3A_23], %div3A_22 {strides = array<i32>} : memref<10112x128xf32, #tpu.memory_space<vmem>>, vector<10112x128xf32>,
    return
  }
}

</mosaic_0001>

<sc_bundles>
// kernel: kernel.11.cloned.1.call-start
scs
__scs_entry_jumppad:
0x0: {  	(pc) =	sbr.rel $0x88, $3  }
0x1: {  	(tag) =	ssettag $0x0;
	lr =	simm.s32 $0x1  }
0x2: {  	[smem:$0x3F9B] =	sst lr;
	_ =	strace $0xD0000000  }
0x3: {  	_ = 	snop  }
0x4: {  	_ = 	snop  }
0x5: {  	_ = 	snop  }
0x6: {  	_ = 	snop  }
0x7: {  	_ = 	snop  }
__scs_overlays_trampoline_lowered:
0x8: {  	[smem:$0x3FAA] =	sst s0  }
0x9: {  	[smem:$0x3FAB] =	sst s1  }
0xa: {  	[smem:$0x3FAC] =	sst s2  }
0xb: {  	[smem:$0x3FAD] =	sst s3  }
0xc: {  	[smem:$0x3FAE] =	sst s4  }
0xd: {  	[smem:$0x3FAF] =	sst s5  }
0xe: {  	[smem:$0x3FB0] =	sst s6  }
0xf: {  	[smem:$0x3FB1] =	sst s7  }
0x10: {  	[smem:$0x3FB2] =	sst s8  }
0x11: {  	[smem:$0x3FB3] =	sst s9;
	s0 =	simm.s32 @!p0 $0x0  }
0x12: {  	s1 =	sld [smem:$0x3F99];
	s0 =	simm.s32 @p0 $0x1  }
0x13: {  	[smem:$0x3FB4] =	sst s0;
	s0 =	simm.s32 @!p1 $0x0  }
0x14: {  	s2 =	sld [smem:$0x3F98];
	s0 =	simm.s32 @p1 $0x1  }
0x15: {  	[smem:$0x3FB5] =	sst s0;
	s0 =	simm.s32 @!p2 $0x0  }
0x16: {  	s3 =	sld [smem:$0x3FDB];
	s0 =	simm.s32 @p2 $0x1  }
0x17: {  	s4 =	simm.s32 $0x1BF5;
	[smem:$0x3FB7] =	sst s0  }
0x18: {  	s0 =	sld [smem:$0x3F9A];
	_ =	swait.ge [sflag:s4], $0x0  }
0x19: {  	s7 =	sld [smem:$0x3F9B]  }
0x1a: {  	s8 =	sadd.s32 $0xFFFFE003, lr  }
0x1b: {  	s9 =	sadd.s32 $0xFFFFFEF7, lr;
	s5 =	simm.s32 $0xFFFFFFFF;
	p2 =	slt.u32 s8, $0xFFFFF086  }
0x1c: {  	p1 =	slt.u32 s9, $0xF7A;
	s5 =	simm.s32 @!p2 $0x0  }
0x1d: {  	s5 =	simm.s32 @p1 $0x1;
	p0 =	seq.s32 s7, s2  }
0x1e: {  	s7 =	smul.u32 @!p0 $0xF7A, s2;
	p2 =	seq.s32 @!p0 s5, $0x0  }
0x1f: {  	s9 =	smul.u32 $0xF7A, s1;
	s8 =	simm.s32 @!p0 $0x1BF5;
	p2 =	por !p2, p0  }
0x20: {  	[sflag:s8] =	ssyncset.s32 @!p0 $0xFFFFF086;
	s6 =	sadd.s32 @!p0 s3, s7;
	s7 =	simm.s32 @!p0 $0x108  }
0x21: {  	s3 =	sadd.s32 s3, s9;
	s6 =	sadd.s32 @!p0 $0x88, s6;
	s7 =	simm.s32 @p2 $0x1082  }
0x22: {  	[simem:s7], [sflag:s8] =	dma.local @!p0 [hbm:s6], $0xF7A  }
0x23: {  	s9 =	sor.u32 $0xD0000000, s2;
	s6 =	simm.s32 $0x108;
	_ =	swait.ge @!p0 [sflag:s8], $0x0  }
0x24: {  	s3 =	sadd.s32 $0x88, s3;
	s6 =	simm.s32 @!p1 $0x1082;
	[sflag:s4] =	ssyncset.s32 $0xFFFFF086  }
0x25: {  	[simem:s6], [sflag:s4] =	dma.local [hbm:s3], $0xF7A  }
0x26: {  	[smem:$0x3F9B] =	sst s1;
	(tag) =	ssettag s2;
	_ =	strace s9  }
0x27: {  	s1 =	sld [smem:$0x3FAB]  }
0x28: {  	s2 =	sld [smem:$0x3FAC]  }
0x29: {  	s4 =	sld [smem:$0x3FAE]  }
0x2a: {  	p0 =	seq.s32 s5, $0x0;
	s5 =	sld [smem:$0x3FAF]  }
0x2b: {  	s6 =	sld [smem:$0x3FB0]  }
0x2c: {  	s7 =	sld [smem:$0x3FB1]  }
0x2d: {  	s3 =	simm.s32 $0x108;
	s8 =	sld [smem:$0x3FB2]  }
0x2e: {  	s3 =	simm.s32 @!p0 $0x1082;
	s9 =	sld [smem:$0x3FB3]  }
0x2f: {  	lr =	sadd.s32 s0, s3;
	s0 =	sld [smem:$0x3FAA]  }
0x30: {  	s3 =	sld [smem:$0x3FAD]  }
0x31: {  	[smem:$0x3FB6] =	sst s10  }
0x32: {  	s10 =	sld [smem:$0x3FB4];
	_ =	sdelay $0x3  }
0x33: {  	p0 =	seq.s32 s10, $0x1;
	s10 =	sld [smem:$0x3FB6];
	_ =	sdelay $0x3  }
0x34: {  	[smem:$0x3FB6] =	sst s10  }
0x35: {  	s10 =	sld [smem:$0x3FB5];
	_ =	sdelay $0x3  }
0x36: {  	p1 =	seq.s32 s10, $0x1;
	s10 =	sld [smem:$0x3FB6];
	_ =	sdelay $0x3  }
0x37: {  	[smem:$0x3FB6] =	sst s10  }
0x38: {  	s10 =	sld [smem:$0x3FB7]  }
0x39: {  	_ = 	snop;
	(pc) =	sbr.ind lr, $3  }
0x3a: {  	_ = 	snop  }
0x3b: {  	_ = 	snop  }
0x3c: {  	p2 =	seq.s32 s10, $0x1;
	s10 =	sld [smem:$0x3FB6]  }
0x3d: {  	_ =	shalt  }
0x3e: {  	_ =	shalt  }
0x3f: {  	_ =	shalt  }
0x40: {  	_ =	shalt  }
0x41: {  	_ =	shalt  }
0x42: {  	_ =	shalt  }
0x43: {  	_ =	shalt  }
0x44: {  	_ =	shalt  }
0x45: {  	_ =	shalt  }
0x46: {  	_ =	shalt  }
0x47: {  	_ =	shalt  }
0x48: {  	_ =	shalt  }
0x49: {  	_ =	shalt  }
0x4a: {  	_ =	shalt  }
0x4b: {  	_ =	shalt  }
0x4c: {  	_ =	shalt  }
0x4d: {  	_ =	shalt  }
0x4e: {  	_ =	shalt  }
0x4f: {  	_ =	shalt  }
0x50: {  	_ =	shalt  }
0x51: {  	_ =	shalt  }
0x52: {  	_ =	shalt  }
0x53: {  	_ =	shalt  }
0x54: {  	_ =	shalt  }
0x55: {  	_ =	shalt  }
0x56: {  	_ =	shalt  }
0x57: {  	_ =	shalt  }
0x58: {  	_ =	shalt  }
0x59: {  	_ =	shalt  }
0x5a: {  	_ =	shalt  }
0x5b: {  	_ =	shalt  }
0x5c: {  	_ =	shalt  }
0x5d: {  	_ =	shalt  }
0x5e: {  	_ =	shalt  }
0x5f: {  	_ =	shalt  }
0x60: {  	_ =	shalt  }
0x61: {  	_ =	shalt  }
0x62: {  	_ =	shalt  }
0x63: {  	_ =	shalt  }
0x64: {  	_ =	shalt  }
0x65: {  	_ =	shalt  }
0x66: {  	_ =	shalt  }
0x67: {  	_ =	shalt  }
0x68: {  	_ =	shalt  }
0x69: {  	_ =	shalt  }
0x6a: {  	_ =	shalt  }
0x6b: {  	_ =	shalt  }
0x6c: {  	_ =	shalt  }
0x6d: {  	_ =	shalt  }
0x6e: {  	_ =	shalt  }
0x6f: {  	_ =	shalt  }
0x70: {  	_ =	shalt  }
0x71: {  	_ =	shalt  }
0x72: {  	_ =	shalt  }
0x73: {  	_ =	shalt  }
0x74: {  	_ =	shalt  }
0x75: {  	_ =	shalt  }
0x76: {  	_ =	shalt  }
0x77: {  	_ =	shalt  }
0x78: {  	_ =	shalt  }
0x79: {  	_ =	shalt  }
0x7a: {  	_ =	shalt  }
0x7b: {  	_ =	shalt  }
0x7c: {  	_ =	shalt  }
0x7d: {  	_ =	shalt  }
0x7e: {  	_ =	shalt  }
0x7f: {  	_ =	shalt  }
0x80: {  	_ =	shalt  }
0x81: {  	_ =	shalt  }
0x82: {  	_ =	shalt  }
0x83: {  	_ =	shalt  }
0x84: {  	_ =	shalt  }
0x85: {  	_ =	shalt  }
0x86: {  	_ =	shalt  }
0x87: {  	_ =	shalt  }
.Lfunc_end0:
.L_simem_size_0:
called_computation.1_lowered:
.L_overlay_start_0:
0x88: {  	s2 =	sld [smem:$0x3FD9]  }
0x89: {  	s3 =	sld [smem:$0x3FFE];
	_ =	sdelay $0x1  }
0x8a: {  	s1 =	srdreg.scid  }
0x8b: {  	s0 =	sand.u32 $0x1, s1  }
0x8c: {  	s17 =	sshll.u32 s0, $0xA;
	s2 =	sadd.s32 s3, s2  }
0x8d: {  	s2 =	sadd.s32 s2, s17  }
0x8e: {  	[smem:$0x3FC2] =	sst s2  }
0x8f: {  	_ = 	snop  }
0x90: {  	s2 =	sld [smem:$0x3FD0];
	(tm) =	ssettm $0x1  }
0x91: {  	s18 =	sld [smem:$0x3FFB];
	_ =	sdelay $0x3  }
0x92: {  	_ =	strace s18  }
0x93: {  	s3 =	sld [smem:$0x3FFC];
	_ =	sdelay $0x3  }
0x94: {  	_ =	strace s3  }
0x95: {  	s3 =	sld [smem:$0x3FFD];
	_ =	sdelay $0x3  }
0x96: {  	_ =	strace s3  }
0x97: {  	_ =	strace $0x8FFFFFFF  }
0x98: {  	s19 =	sld [smem:$0x3FDB];
	_ =	sdelay $0x1  }
0x99: {  	s4 =	simm.s32 $_scs_section_size  }
0x9a: {  	s5 =	simm.s32 $_size__tile_overlayer_lowered;
	s6 =	simm.s32 $_tile_overlayer_lowered  }
0x9b: {  	s22 =	simm.s32 $0x1BFF;
	s21 =	sshll.u32 s6, $0x1;
	s3 =	sadd.s32 s4, s19  }
0x9c: {  	s7 =	simm.s32 $0x0;
	s20 =	sshll.u32 s5, $0x1;
	s5 =	sadd.s32 s21, s3  }
0x9d: {  	[timem:s7], [sflag:s22] =	dma.local [hbm:s5], s20  }
0x9e: {  	_ =	swait.ge [sflag:s22], s20  }
0x9f: {  	s4 =	ssub.s32 $0x0, s20;
	[sflag:s22] =	ssyncset.done $0x0  }
0xa0: {  	[sflag:s22] =	ssyncadd.s32 s4;
	_ =	sdelay $0x1  }
0xa1: {  	s23 =	simm.s32 $0x1B8B  }
0xa2: {  	_ =	swait.ge [sflag:s23], $0x1  }
0xa3: {  	[sflag:s23] =	ssyncset.done $0x0  }
0xa4: {  	s25 =	simm.s32 $0x1B8E;
	s24 =	sld [smem:$0x3FFE];
	[sflag:s23] =	ssyncadd.s32 $0xFFFFFFFF  }
0xa5: {  	s26 =	simm.s32 $execute0_lowered;
	[smem:$0x3FD2] =	sst s25  }
0xa6: {  	s5 =	sshll.u32 s26, $0x1;
	_ =	strace $0x80000046;
	[dreg:$0x1] =	wrdreg $0xFFFFFFFF  }
0xa7: {  	s28 =	simm.s32 $_size_execute0_lowered;
	s3 =	sadd.s32 s3, s5;
	[dreg:$0x0] =	wrdreg $0x0  }
0xa8: {  	s5 =	sshll.u32 s28, $0x1;
	[dreg:$0x2] =	wrdreg s3  }
0xa9: {  	[dreg:$0x3] =	wrdreg s5  }
0xaa: {  	[dreg:$0x4] =	wrdreg $0xC0  }
0xab: {  	_ =	task [dreg:s7], $0x5FFFF  }
0xac: {  	[dreg:$0x1] =	wrdreg $0xFFFFFFFF  }
0xad: {  	[dreg:$0x0] =	wrdreg $0x60  }
0xae: {  	[dreg:$0x2] =	wrdreg s2  }
0xaf: {  	[dreg:$0x3] =	wrdreg s24  }
0xb0: {  	[dreg:$0x4] =	wrdreg $0x28000  }
0xb1: {  	[dreg:$0x5] =	wrdreg $0xA  }
0xb2: {  	_ =	task.clear_ibuf [dreg:s7], $0x6FFFF;
	_ =	strace $0x90000046  }
0xb3: {  	s29 =	simm.s32 $0xA;
	_ =	strace $0x80000048  }
0xb4: {  	_ =	swait.ge [sflag:s29], $0x1  }
0xb5: {  	[sflag:s29] =	ssyncadd.s32 $0xFFFFFFFF  }
0xb6: {  	_ =	strace $0x90000048  }
0xb7: {  	_ =	sfence  }
0xb8: {  	s30 =	sld [smem:$0x0];
	_ =	sdelay $0x2  }
0xb9: {  	s31 =	sshll.u32 s1, $0xD;
	s1 =	sshrl.u32 s1, $0x2  }
0xba: {  	s3 =	sand.u32 $0x4000, s31;
	s1 =	sadd.s32 s1, s30  }
0xbb: {  	s0 =	sor.u32 s3, s0;
	s1 =	sshll.u32 s1, $0x11  }
0xbc: {  	s0 =	sor.u32 s1, s0  }
0xbd: {  	s0 =	sadd.s32 $0x8F2B, s0  }
0xbe: {  	[sflag:s0] =	ssyncadd.remote.s32 $0x1  }
0xbf: {  	_ =	sfence.sel $0xFFFF  }
0xc0: {  	[dreg:$0x0] =	wrdreg $0xFFFFFFFF;
	(pc) =	sbr.abs _section_cstart, $3  }
0xc1: {  	[dreg:$0x1] =	wrdreg $0xFFFFFFFF  }
0xc2: {  	_ =	task.clear_ibuf [dreg:s7], $0x2FFFF;
	_ =	strace $0x9FFFFFFF  }
0xc3: {  	(tm) =	ssettm $0x7FFFFFFF  }
tec
execute0_lowered:
.L_overlay_start_1:
0x0: {  	(tag) =	ssettag $0x1  }
0x1: {  	s1 =	rddreg [dreg:$0x0]  }
0x2: {  	s6 =	rddreg [dreg:$0x1]  }
0x3: {  	s2 =	rddreg [dreg:$0x2]  }
0x4: {  	s3 =	srdreg.scid;
	s0 =	rddreg [dreg:$0x3]  }
0x5: {  	s4 =	simm.s32 $0x0;
	s16 =	simm.s32 $0x80;
	s17 =	simm.s32 $0x16400  }
0x6: {  	s18 =	simm.s32 $0x1A400;
	s19 =	simm.s32 $0x1;
	s20 =	simm.s32 $0x3  }
0x7: {  	s21 =	simm.s32 $0x2;
	s22 =	simm.s32 $0x4;
	s23 =	simm.s32 $0x2700  }
0x8: {  	s24 =	simm.s32 $0x2780;
	s25 =	simm.s32 $0x0;
	s7 =	sand.u32 $0x1, s3  }
0x9: {  	s3 =	stileid.u32;
	[smem:$0x7FF] =	sst s4;
	s10 =	sadd.s32 $0x1800, s6  }
0xa: {  	s11 =	sadd.s32 $0xB800, s6;
	s5 =	sadd.s32 $0x15800, s6;
	s8 =	smul.u32 $0x13C000, s7  }
0xb: {  	s9 =	smul.u32 $0x13C00, s3;
	_ =	strace $0x80000047;
	s26 =	sshll.u32 s7, $0x4  }
0xc: {  	s7 =	ssub.s32 $0x2, s7;
	s12 =	smul.u32 $0x4F000, s3;
	s29 =	sshll.u32 s3, $0x6  }
0xd: {  	s13 =	sshrl.u32 s7, $0x1;
	s8 =	sadd.s32 s9, s8;
	s9 =	sor.u32 s3, s26  }
0xe: {  	s13 =	ssub.s32 s7, s13;
	s28 =	sshrl.u32 s12, $0x2;
	s9 =	smul.u32 $0x2800, s9  }
0xf: {  	s8 =	sshrl.u32 s8, $0x3;
	s15 =	sadd.s32 s28, s2;
	s12 =	smax.u32 s13, $0x1  }
0x10: {  	s14 =	sadd.s32 s8, s6;
	s6 =	sor.u32 $0x1C05, s29;
	s30 =	sshrl.u32 s9, $0x3  }
0x11: {  	s13 =	sshrl.u32 s15, $0x3;
	s15 =	simm.s32 $0x1400;
	s31 =	sadd.s32 $0x280, s30  }
0x12: {  	s7 =	sadd.s32 s10, s30;
	s8 =	sadd.s32 s11, s30;
	s9 =	sadd.s32 s10, s31  }
0x13: {  	s10 =	sadd.s32 s11, s31;
	s11 =	sadd.s32 $0x18000, s14;
	s14 =	simm.s32 $0x5  }
.LBB2_1:
0x14: {  	[spmem:s13], [sflag:s6] =	dma.local [hbm:s5], $0x2780  }
0x15: {  	_ =	swait.ge [sflag:s14], $0x2780  }
0x16: {  	[sflag:s14] =	ssyncset.done $0x0  }
0x17: {  	[sflag:s14] =	ssyncadd.s32 $0xFFFFD880  }
0x18: {  	[bflag:$0x0] =	sbarrier.arrive $0xFFFF  }
0x19: {  	[tilespmem:s4], [sflag:$0x5] =	stream.linear.gather [hbm4b:s7+s4], $0x1400, $0x38;
	[tilespmem:$0x1E400] =	vst v63  }
0x1a: {  	_ =	swait.ge [sflag:s14], $0x1400  }
0x1b: {  	[sflag:s14] =	ssyncset.done $0x0  }
0x1c: {  	[sflag:s14] =	ssyncadd.s32 $0xFFFFEC00  }
0x1d: {  	[tilespmem:s15], [sflag:$0x5] =	stream.linear.gather [hbm4b:s8+s4], $0x1400, $0x38;
	[tilespmem:$0x1E400] =	vst v63  }
0x1e: {  	_ =	swait.ge [sflag:s14], $0x1400  }
0x1f: {  	[sflag:s14] =	ssyncset.done $0x0  }
0x20: {  	[sflag:s14] =	ssyncadd.s32 $0xFFFFEC00  }
0x21: {  	[tilespmem:s17], [sflag:$0x1] =	stream.indirect.gather [hbm4b:s1+s16], $0x80, s4, s16, $0xb8;
	[tilespmem:$0x1E400] =	vst v63  }
0x22: {  	_ = 	snop  }
0x23: {  	[tilespmem:s18], [sflag:$0x2] =	stream.indirect.gather [hbm4b:s1+s16], $0x80, s16, s16, $0xb8;
	[tilespmem:$0x1E400] =	vst v63  }
0x24: {  	_ =	swait.ge [sflag:s19], $0x4000  }
0x25: {  	[sflag:s19] =	ssyncset.done $0x0  }
0x26: {  	s26 =	simm.s32 $0x1400;
	[sflag:s19] =	ssyncadd.s32 $0xFFFFC000  }
0x27: {  	[spmem:s2] =	stream.indirect.scatter.add.f32 [tilespmem:s17], [sflag:$0x3], $0x80, s26, s16, $0xb8;
	[tilespmem:$0x1E400] =	vst v63  }
0x28: {  	_ =	swait.ge [sflag:s20], $0x4000  }
0x29: {  	[sflag:s20] =	ssyncset.done $0x0  }
0x2a: {  	s30 =	simm.s32 $0x100;
	[sflag:s20] =	ssyncadd.s32 $0xFFFFC000  }
0x2b: {  	[tilespmem:s17], [sflag:$0x1] =	stream.indirect.gather [hbm4b:s1+s16], $0x80, s30, s16, $0xb8;
	[tilespmem:$0x1E400] =	vst v63  }
0x2c: {  	_ =	swait.ge [sflag:s21], $0x4000  }
0x2d: {  	[sflag:s21] =	ssyncset.done $0x0  }
0x2e: {  	s31 =	simm.s32 $0x1480;
	[sflag:s21] =	ssyncadd.s32 $0xFFFFC000  }
0x2f: {  	[spmem:s2] =	stream.indirect.scatter.add.f32 [tilespmem:s18], [sflag:$0x4], $0x80, s31, s16, $0xb8;
	[tilespmem:$0x1E400] =	vst v63  }
0x30: {  	_ =	swait.ge [sflag:s22], $0x4000  }
0x31: {  	[sflag:s22] =	ssyncset.done $0x0  }
0x32: {  	s28 =	simm.s32 $0x180;
	s26 =	simm.s32 $0x400;
	[sflag:s22] =	ssyncadd.s32 $0xFFFFC000  }
.LBB2_2:
0x33: {  	[tilespmem:s18], [sflag:$0x2] =	stream.indirect.gather [hbm4b:s1+s16], $0x80, s28, s16, $0xb8;
	[tilespmem:$0x1E400] =	vst v63  }
0x34: {  	s28 =	smov.u32 s26  }
0x35: {  	p0 =	sne.s32 s26, $0x4800;
	s26 =	sadd.s32 $0x400, s26;
	_ =	swait.ge [sflag:s19], $0x4000  }
0x36: {  	s28 =	sshra.s32 s28, $0x2;
	[sflag:s19] =	ssyncset.done $0x0  }
0x37: {  	s29 =	sadd.s32 $0x1400, s28;
	[sflag:s19] =	ssyncadd.s32 $0xFFFFC000  }
0x38: {  	[spmem:s2] =	stream.indirect.scatter.add.f32 [tilespmem:s17], [sflag:$0x3], $0x80, s29, s16, $0xb8;
	[tilespmem:$0x1E400] =	vst v63  }
0x39: {  	_ =	swait.ge [sflag:s20], $0x4000  }
0x3a: {  	[sflag:s20] =	ssyncset.done $0x0  }
0x3b: {  	s29 =	sadd.s32 $0x100, s28;
	[sflag:s20] =	ssyncadd.s32 $0xFFFFC000  }
0x3c: {  	[tilespmem:s17], [sflag:$0x1] =	stream.indirect.gather [hbm4b:s1+s16], $0x80, s29, s16, $0xb8;
	[tilespmem:$0x1E400] =	vst v63  }
0x3d: {  	_ =	swait.ge [sflag:s21], $0x4000  }
0x3e: {  	[sflag:s21] =	ssyncset.done $0x0  }
.Ltmp0:
0x3f: {  	s29 =	sadd.s32 $0x1480, s28;
	[sflag:s21] =	ssyncadd.s32 $0xFFFFC000;
	(pc) =	sbr.rel @p0 .LBB2_2-.Ltmp0, $4  }
0x40: {  	[spmem:s2] =	stream.indirect.scatter.add.f32 [tilespmem:s18], [sflag:$0x4], $0x80, s29, s16, $0xb8;
	[tilespmem:$0x1E400] =	vst v63  }
0x41: {  	_ =	swait.ge [sflag:s22], $0x4000  }
0x42: {  	[sflag:s22] =	ssyncset.done $0x0  }
0x43: {  	s28 =	sadd.s32 $0x180, s28;
	[sflag:s22] =	ssyncadd.s32 $0xFFFFC000  }
0x44: {  	[tilespmem:s18], [sflag:$0x2] =	stream.indirect.gather [hbm4b:s1+s16], $0x80, s28, s16, $0xb8;
	[tilespmem:$0x1E400] =	vst v63  }
0x45: {  	_ =	swait.ge [sflag:s19], $0x4000  }
0x46: {  	[sflag:s19] =	ssyncset.done $0x0  }
0x47: {  	[sflag:s19] =	ssyncadd.s32 $0xFFFFC000  }
0x48: {  	[spmem:s2] =	stream.indirect.scatter.add.f32 [tilespmem:s17], [sflag:$0x3], $0x80, s23, s16, $0xb8;
	[tilespmem:$0x1E400] =	vst v63  }
0x49: {  	_ =	swait.ge [sflag:s21], $0x4000  }
0x4a: {  	[sflag:s21] =	ssyncset.done $0x0  }
0x4b: {  	[sflag:s21] =	ssyncadd.s32 $0xFFFFC000  }
0x4c: {  	[spmem:s2] =	stream.indirect.scatter.add.f32 [tilespmem:s18], [sflag:$0x4], $0x80, s24, s16, $0xb8;
	[tilespmem:$0x1E400] =	vst v63  }
0x4d: {  	_ =	swait.ge [sflag:s20], $0x4000  }
0x4e: {  	[sflag:s20] =	ssyncset.done $0x0  }
0x4f: {  	[sflag:s20] =	ssyncadd.s32 $0xFFFFC000  }
0x50: {  	_ =	swait.ge [sflag:s22], $0x4000  }
0x51: {  	[sflag:s22] =	ssyncset.done $0x0  }
0x52: {  	s26 =	simm.s32 $0x0;
	[sflag:s22] =	ssyncadd.s32 $0xFFFFC000  }
0x53: {  	[tilespmem:s26], [sflag:$0x5] =	stream.linear.gather [hbm4b:s9+s26], $0x1400, $0x38;
	[tilespmem:$0x1E400] =	vst v63  }
0x54: {  	_ =	swait.ge [sflag:s14], $0x1400  }
0x55: {  	[sflag:s14] =	ssyncset.done $0x0  }
0x56: {  	[sflag:s14] =	ssyncadd.s32 $0xFFFFEC00  }
0x57: {  	[tilespmem:s15], [sflag:$0x5] =	stream.linear.gather [hbm4b:s10+s26], $0x1400, $0x38;
	[tilespmem:$0x1E400] =	vst v63  }
0x58: {  	_ =	swait.ge [sflag:s14], $0x1400  }
0x59: {  	[sflag:s14] =	ssyncset.done $0x0  }
0x5a: {  	[sflag:s14] =	ssyncadd.s32 $0xFFFFEC00  }
0x5b: {  	[tilespmem:s17], [sflag:$0x1] =	stream.indirect.gather [hbm4b:s1+s16], $0x80, s26, s16, $0xb8;
	[tilespmem:$0x1E400] =	vst v63  }
0x5c: {  	_ = 	snop  }
0x5d: {  	[tilespmem:s18], [sflag:$0x2] =	stream.indirect.gather [hbm4b:s1+s16], $0x80, s16, s16, $0xb8;
	[tilespmem:$0x1E400] =	vst v63  }
0x5e: {  	_ =	swait.ge [sflag:s19], $0x4000  }
0x5f: {  	[sflag:s19] =	ssyncset.done $0x0  }
0x60: {  	s29 =	simm.s32 $0x1400;
	[sflag:s19] =	ssyncadd.s32 $0xFFFFC000  }
0x61: {  	[spmem:s2] =	stream.indirect.scatter.add.f32 [tilespmem:s17], [sflag:$0x3], $0x80, s29, s16, $0xb8;
	[tilespmem:$0x1E400] =	vst v63  }
0x62: {  	_ =	swait.ge [sflag:s20], $0x4000  }
0x63: {  	[sflag:s20] =	ssyncset.done $0x0  }
0x64: {  	s30 =	simm.s32 $0x100;
	[sflag:s20] =	ssyncadd.s32 $0xFFFFC000  }
0x65: {  	[tilespmem:s17], [sflag:$0x1] =	stream.indirect.gather [hbm4b:s1+s16], $0x80, s30, s16, $0xb8;
	[tilespmem:$0x1E400] =	vst v63  }
0x66: {  	_ =	swait.ge [sflag:s21], $0x4000  }
0x67: {  	[sflag:s21] =	ssyncset.done $0x0  }
0x68: {  	s31 =	simm.s32 $0x1480;
	[sflag:s21] =	ssyncadd.s32 $0xFFFFC000  }
0x69: {  	[spmem:s2] =	stream.indirect.scatter.add.f32 [tilespmem:s18], [sflag:$0x4], $0x80, s31, s16, $0xb8;
	[tilespmem:$0x1E400] =	vst v63  }
0x6a: {  	_ =	swait.ge [sflag:s22], $0x4000  }
0x6b: {  	[sflag:s22] =	ssyncset.done $0x0  }
0x6c: {  	s28 =	simm.s32 $0x180;
	s26 =	simm.s32 $0x400;
	[sflag:s22] =	ssyncadd.s32 $0xFFFFC000  }
.LBB2_4:
0x6d: {  	[tilespmem:s18], [sflag:$0x2] =	stream.indirect.gather [hbm4b:s1+s16], $0x80, s28, s16, $0xb8;
	[tilespmem:$0x1E400] =	vst v63  }
0x6e: {  	s28 =	smov.u32 s26  }
0x6f: {  	p0 =	sne.s32 s26, $0x4800;
	s26 =	sadd.s32 $0x400, s26;
	_ =	swait.ge [sflag:s19], $0x4000  }
0x70: {  	s28 =	sshra.s32 s28, $0x2;
	[sflag:s19] =	ssyncset.done $0x0  }
0x71: {  	s29 =	sadd.s32 $0x1400, s28;
	[sflag:s19] =	ssyncadd.s32 $0xFFFFC000  }
0x72: {  	[spmem:s2] =	stream.indirect.scatter.add.f32 [tilespmem:s17], [sflag:$0x3], $0x80, s29, s16, $0xb8;
	[tilespmem:$0x1E400] =	vst v63  }
0x73: {  	_ =	swait.ge [sflag:s20], $0x4000  }
0x74: {  	[sflag:s20] =	ssyncset.done $0x0  }
0x75: {  	s29 =	sadd.s32 $0x100, s28;
	[sflag:s20] =	ssyncadd.s32 $0xFFFFC000  }
0x76: {  	[tilespmem:s17], [sflag:$0x1] =	stream.indirect.gather [hbm4b:s1+s16], $0x80, s29, s16, $0xb8;
	[tilespmem:$0x1E400] =	vst v63  }
0x77: {  	_ =	swait.ge [sflag:s21], $0x4000  }
0x78: {  	[sflag:s21] =	ssyncset.done $0x0  }
.Ltmp1:
0x79: {  	s29 =	sadd.s32 $0x1480, s28;
	[sflag:s21] =	ssyncadd.s32 $0xFFFFC000;
	(pc) =	sbr.rel @p0 .LBB2_4-.Ltmp1, $4  }
0x7a: {  	[spmem:s2] =	stream.indirect.scatter.add.f32 [tilespmem:s18], [sflag:$0x4], $0x80, s29, s16, $0xb8;
	[tilespmem:$0x1E400] =	vst v63  }
0x7b: {  	_ =	swait.ge [sflag:s22], $0x4000  }
0x7c: {  	[sflag:s22] =	ssyncset.done $0x0  }
0x7d: {  	s28 =	sadd.s32 $0x180, s28;
	[sflag:s22] =	ssyncadd.s32 $0xFFFFC000  }
0x7e: {  	[tilespmem:s18], [sflag:$0x2] =	stream.indirect.gather [hbm4b:s1+s16], $0x80, s28, s16, $0xb8;
	[tilespmem:$0x1E400] =	vst v63  }
0x7f: {  	_ =	swait.ge [sflag:s19], $0x4000  }
0x80: {  	[sflag:s19] =	ssyncset.done $0x0  }
0x81: {  	[sflag:s19] =	ssyncadd.s32 $0xFFFFC000  }
0x82: {  	[spmem:s2] =	stream.indirect.scatter.add.f32 [tilespmem:s17], [sflag:$0x3], $0x80, s23, s16, $0xb8;
	[tilespmem:$0x1E400] =	vst v63  }
0x83: {  	_ =	swait.ge [sflag:s21], $0x4000  }
0x84: {  	[sflag:s21] =	ssyncset.done $0x0  }
0x85: {  	[sflag:s21] =	ssyncadd.s32 $0xFFFFC000  }
0x86: {  	[spmem:s2] =	stream.indirect.scatter.add.f32 [tilespmem:s18], [sflag:$0x4], $0x80, s24, s16, $0xb8;
	[tilespmem:$0x1E400] =	vst v63  }
0x87: {  	_ =	swait.ge [sflag:s20], $0x4000  }
0x88: {  	[sflag:s20] =	ssyncset.done $0x0  }
0x89: {  	[sflag:s20] =	ssyncadd.s32 $0xFFFFC000  }
0x8a: {  	_ =	swait.ge [sflag:s22], $0x4000  }
0x8b: {  	s25 =	sadd.s32 $0x1, s25;
	[sflag:s22] =	ssyncset.done $0x0  }
0x8c: {  	p0 =	sne.s32 s25, s12;
	[sflag:s22] =	ssyncadd.s32 $0xFFFFC000  }
.Ltmp2:
0x8d: {  	[bflag:$0x0] =	sbarrier.arrive $0xFFFF;
	(pc) =	sbr.rel @p0 .LBB2_1-.Ltmp2, $4  }
0x8e: {  	[hbm:s11], [sflag:s6] =	dma.local [spmem:s13], $0x2780  }
0x8f: {  	_ =	swait.ge [sflag:s14], $0x2780  }
0x90: {  	[sflag:s14] =	ssyncset.done $0x0  }
0x91: {  	[sflag:s14] =	ssyncadd.s32 $0xFFFFD880  }
0x92: {  	_ =	sfence.sel $0x180000  }
0x93: {  	[bflag:$0x0] =	sbarrier.arrive $0xFFFF  }
0x94: {  	p0 =	sne.s32 s3, $0x0;
	_ =	strace $0x90000047  }
0x95: {  	s0 =	sadd.s32 @!p0 $0x100000, s0;
	[bflag:$0x2] =	sbarrier.arrive $0xFFFF  }
0x96: {  	[sflag:s0] =	ssyncadd.tile.s32 @!p0 $0x1;
	_ =	shalt  }
.Lfunc_end2:
_tile_overlayer_lowered:
.L_overlay_start_2:
0x97: {  	(tag) =	ssettag $0x2  }
0x98: {  	s0 =	rddreg [dreg:$0x0];
	s2 =	stileid.u32  }
0x99: {  	s1 =	rddreg [dreg:$0x1];
	p0 =	sne.s32 s2, $0x0  }
0x9a: {  	s3 =	rddreg [dreg:$0x2];
	[bflag:$0x3] =	sbarrier.arrive $0xFFFF;
	s2 =	simm.s32 @!p0 $0x1C05  }
0x9b: {  	[timem:s3], [sflag:s2] =	dma.local @!p0 [hbm:s0], s1  }
0x9c: {  	s0 =	simm.s32 @!p0 $0x5  }
0x9d: {  	_ =	swait.ge @!p0 [sflag:s0], s1  }
0x9e: {  	s1 =	ssub.s32 @!p0 $0x0, s1;
	[sflag:s0] =	ssyncset.done @!p0 $0x0  }
0x9f: {  	[sflag:s0] =	ssyncadd.s32 @!p0 s1  }
0xa0: {  	[bflag:$0x3] =	sbarrier.arrive $0xFFFF  }
0xa1: {  	_ =	shalt  }

// kernel: kernel.14.cloned.1.call-start
scs
__scs_entry_jumppad:
0x0: {  	(pc) =	sbr.rel $0x88, $3  }
0x1: {  	(tag) =	ssettag $0x0;
	lr =	simm.s32 $0x1  }
0x2: {  	[smem:$0x3F9B] =	sst lr;
	_ =	strace $0xD0000000  }
0x3: {  	_ = 	snop  }
0x4: {  	_ = 	snop  }
0x5: {  	_ = 	snop  }
0x6: {  	_ = 	snop  }
0x7: {  	_ = 	snop  }
__scs_overlays_trampoline_lowered:
0x8: {  	[smem:$0x3FAA] =	sst s0  }
0x9: {  	[smem:$0x3FAB] =	sst s1  }
0xa: {  	[smem:$0x3FAC] =	sst s2  }
0xb: {  	[smem:$0x3FAD] =	sst s3  }
0xc: {  	[smem:$0x3FAE] =	sst s4  }
0xd: {  	[smem:$0x3FAF] =	sst s5  }
0xe: {  	[smem:$0x3FB0] =	sst s6  }
0xf: {  	[smem:$0x3FB1] =	sst s7  }
0x10: {  	[smem:$0x3FB2] =	sst s8  }
0x11: {  	[smem:$0x3FB3] =	sst s9;
	s0 =	simm.s32 @!p0 $0x0  }
0x12: {  	s1 =	sld [smem:$0x3F99];
	s0 =	simm.s32 @p0 $0x1  }
0x13: {  	[smem:$0x3FB4] =	sst s0;
	s0 =	simm.s32 @!p1 $0x0  }
0x14: {  	s2 =	sld [smem:$0x3F98];
	s0 =	simm.s32 @p1 $0x1  }
0x15: {  	[smem:$0x3FB5] =	sst s0;
	s0 =	simm.s32 @!p2 $0x0  }
0x16: {  	s3 =	sld [smem:$0x3FDB];
	s0 =	simm.s32 @p2 $0x1  }
0x17: {  	s4 =	simm.s32 $0x1BF5;
	[smem:$0x3FB7] =	sst s0  }
0x18: {  	s0 =	sld [smem:$0x3F9A];
	_ =	swait.ge [sflag:s4], $0x0  }
0x19: {  	s7 =	sld [smem:$0x3F9B]  }
0x1a: {  	s8 =	sadd.s32 $0xFFFFE003, lr  }
0x1b: {  	s9 =	sadd.s32 $0xFFFFFEF7, lr;
	s5 =	simm.s32 $0xFFFFFFFF;
	p2 =	slt.u32 s8, $0xFFFFF086  }
0x1c: {  	p1 =	slt.u32 s9, $0xF7A;
	s5 =	simm.s32 @!p2 $0x0  }
0x1d: {  	s5 =	simm.s32 @p1 $0x1;
	p0 =	seq.s32 s7, s2  }
0x1e: {  	s7 =	smul.u32 @!p0 $0xF7A, s2;
	p2 =	seq.s32 @!p0 s5, $0x0  }
0x1f: {  	s9 =	smul.u32 $0xF7A, s1;
	s8 =	simm.s32 @!p0 $0x1BF5;
	p2 =	por !p2, p0  }
0x20: {  	[sflag:s8] =	ssyncset.s32 @!p0 $0xFFFFF086;
	s6 =	sadd.s32 @!p0 s3, s7;
	s7 =	simm.s32 @!p0 $0x108  }
0x21: {  	s3 =	sadd.s32 s3, s9;
	s6 =	sadd.s32 @!p0 $0x88, s6;
	s7 =	simm.s32 @p2 $0x1082  }
0x22: {  	[simem:s7], [sflag:s8] =	dma.local @!p0 [hbm:s6], $0xF7A  }
0x23: {  	s9 =	sor.u32 $0xD0000000, s2;
	s6 =	simm.s32 $0x108;
	_ =	swait.ge @!p0 [sflag:s8], $0x0  }
0x24: {  	s3 =	sadd.s32 $0x88, s3;
	s6 =	simm.s32 @!p1 $0x1082;
	[sflag:s4] =	ssyncset.s32 $0xFFFFF086  }
0x25: {  	[simem:s6], [sflag:s4] =	dma.local [hbm:s3], $0xF7A  }
0x26: {  	[smem:$0x3F9B] =	sst s1;
	(tag) =	ssettag s2;
	_ =	strace s9  }
0x27: {  	s1 =	sld [smem:$0x3FAB]  }
0x28: {  	s2 =	sld [smem:$0x3FAC]  }
0x29: {  	s4 =	sld [smem:$0x3FAE]  }
0x2a: {  	p0 =	seq.s32 s5, $0x0;
	s5 =	sld [smem:$0x3FAF]  }
0x2b: {  	s6 =	sld [smem:$0x3FB0]  }
0x2c: {  	s7 =	sld [smem:$0x3FB1]  }
0x2d: {  	s3 =	simm.s32 $0x108;
	s8 =	sld [smem:$0x3FB2]  }
0x2e: {  	s3 =	simm.s32 @!p0 $0x1082;
	s9 =	sld [smem:$0x3FB3]  }
0x2f: {  	lr =	sadd.s32 s0, s3;
	s0 =	sld [smem:$0x3FAA]  }
0x30: {  	s3 =	sld [smem:$0x3FAD]  }
0x31: {  	[smem:$0x3FB6] =	sst s10  }
0x32: {  	s10 =	sld [smem:$0x3FB4];
	_ =	sdelay $0x3  }
0x33: {  	p0 =	seq.s32 s10, $0x1;
	s10 =	sld [smem:$0x3FB6];
	_ =	sdelay $0x3  }
0x34: {  	[smem:$0x3FB6] =	sst s10  }
0x35: {  	s10 =	sld [smem:$0x3FB5];
	_ =	sdelay $0x3  }
0x36: {  	p1 =	seq.s32 s10, $0x1;
	s10 =	sld [smem:$0x3FB6];
	_ =	sdelay $0x3  }
0x37: {  	[smem:$0x3FB6] =	sst s10  }
0x38: {  	s10 =	sld [smem:$0x3FB7]  }
0x39: {  	_ = 	snop;
	(pc) =	sbr.ind lr, $3  }
0x3a: {  	_ = 	snop  }
0x3b: {  	_ = 	snop  }
0x3c: {  	p2 =	seq.s32 s10, $0x1;
	s10 =	sld [smem:$0x3FB6]  }
0x3d: {  	_ =	shalt  }
0x3e: {  	_ =	shalt  }
0x3f: {  	_ =	shalt  }
0x40: {  	_ =	shalt  }
0x41: {  	_ =	shalt  }
0x42: {  	_ =	shalt  }
0x43: {  	_ =	shalt  }
0x44: {  	_ =	shalt  }
0x45: {  	_ =	shalt  }
0x46: {  	_ =	shalt  }
0x47: {  	_ =	shalt  }
0x48: {  	_ =	shalt  }
0x49: {  	_ =	shalt  }
0x4a: {  	_ =	shalt  }
0x4b: {  	_ =	shalt  }
0x4c: {  	_ =	shalt  }
0x4d: {  	_ =	shalt  }
0x4e: {  	_ =	shalt  }
0x4f: {  	_ =	shalt  }
0x50: {  	_ =	shalt  }
0x51: {  	_ =	shalt  }
0x52: {  	_ =	shalt  }
0x53: {  	_ =	shalt  }
0x54: {  	_ =	shalt  }
0x55: {  	_ =	shalt  }
0x56: {  	_ =	shalt  }
0x57: {  	_ =	shalt  }
0x58: {  	_ =	shalt  }
0x59: {  	_ =	shalt  }
0x5a: {  	_ =	shalt  }
0x5b: {  	_ =	shalt  }
0x5c: {  	_ =	shalt  }
0x5d: {  	_ =	shalt  }
0x5e: {  	_ =	shalt  }
0x5f: {  	_ =	shalt  }
0x60: {  	_ =	shalt  }
0x61: {  	_ =	shalt  }
0x62: {  	_ =	shalt  }
0x63: {  	_ =	shalt  }
0x64: {  	_ =	shalt  }
0x65: {  	_ =	shalt  }
0x66: {  	_ =	shalt  }
0x67: {  	_ =	shalt  }
0x68: {  	_ =	shalt  }
0x69: {  	_ =	shalt  }
0x6a: {  	_ =	shalt  }
0x6b: {  	_ =	shalt  }
0x6c: {  	_ =	shalt  }
0x6d: {  	_ =	shalt  }
0x6e: {  	_ =	shalt  }
0x6f: {  	_ =	shalt  }
0x70: {  	_ =	shalt  }
0x71: {  	_ =	shalt  }
0x72: {  	_ =	shalt  }
0x73: {  	_ =	shalt  }
0x74: {  	_ =	shalt  }
0x75: {  	_ =	shalt  }
0x76: {  	_ =	shalt  }
0x77: {  	_ =	shalt  }
0x78: {  	_ =	shalt  }
0x79: {  	_ =	shalt  }
0x7a: {  	_ =	shalt  }
0x7b: {  	_ =	shalt  }
0x7c: {  	_ =	shalt  }
0x7d: {  	_ =	shalt  }
0x7e: {  	_ =	shalt  }
0x7f: {  	_ =	shalt  }
0x80: {  	_ =	shalt  }
0x81: {  	_ =	shalt  }
0x82: {  	_ =	shalt  }
0x83: {  	_ =	shalt  }
0x84: {  	_ =	shalt  }
0x85: {  	_ =	shalt  }
0x86: {  	_ =	shalt  }
0x87: {  	_ =	shalt  }
.Lfunc_end0:
.L_simem_size_0:
called_computation.2_lowered:
.L_overlay_start_0:
0x88: {  	s2 =	sld [smem:$0x3FD9]  }
0x89: {  	s3 =	sld [smem:$0x3FFE];
	_ =	sdelay $0x1  }
0x8a: {  	s1 =	srdreg.scid  }
0x8b: {  	s0 =	sand.u32 $0x1, s1  }
0x8c: {  	s16 =	sshll.u32 s0, $0xA;
	s2 =	sadd.s32 s3, s2  }
0x8d: {  	s2 =	sadd.s32 s2, s16  }
0x8e: {  	[smem:$0x3FC2] =	sst s2  }
0x8f: {  	_ = 	snop  }
0x90: {  	(tm) =	ssettm $0x1  }
0x91: {  	s17 =	sld [smem:$0x3FFB];
	_ =	sdelay $0x3  }
0x92: {  	_ =	strace s17  }
0x93: {  	s2 =	sld [smem:$0x3FFC];
	_ =	sdelay $0x3  }
0x94: {  	_ =	strace s2  }
0x95: {  	s2 =	sld [smem:$0x3FFD];
	_ =	sdelay $0x3  }
0x96: {  	_ =	strace s2  }
0x97: {  	_ =	strace $0x8FFFFFFF  }
0x98: {  	s18 =	sld [smem:$0x3FDB];
	_ =	sdelay $0x1  }
0x99: {  	s19 =	simm.s32 $_scs_section_size  }
0x9a: {  	s4 =	simm.s32 $_size__tile_overlayer_lowered;
	s5 =	simm.s32 $_tile_overlayer_lowered  }
0x9b: {  	s22 =	simm.s32 $0x1BFF;
	s21 =	sshll.u32 s5, $0x1;
	s2 =	sadd.s32 s19, s18  }
0x9c: {  	s6 =	simm.s32 $0x0;
	s20 =	sshll.u32 s4, $0x1;
	s4 =	sadd.s32 s21, s2  }
0x9d: {  	[timem:s6], [sflag:s22] =	dma.local [hbm:s4], s20  }
0x9e: {  	_ =	swait.ge [sflag:s22], s20  }
0x9f: {  	s3 =	ssub.s32 $0x0, s20;
	[sflag:s22] =	ssyncset.done $0x0  }
0xa0: {  	[sflag:s22] =	ssyncadd.s32 s3;
	_ =	sdelay $0x1  }
0xa1: {  	s23 =	simm.s32 $0x1B8B  }
0xa2: {  	_ =	swait.ge [sflag:s23], $0x1  }
0xa3: {  	[sflag:s23] =	ssyncset.done $0x0  }
0xa4: {  	s25 =	simm.s32 $0x1B8E;
	s24 =	sld [smem:$0x3FFE];
	[sflag:s23] =	ssyncadd.s32 $0xFFFFFFFF  }
0xa5: {  	s26 =	simm.s32 $execute0_lowered;
	[smem:$0x3FD2] =	sst s25  }
0xa6: {  	s4 =	sshll.u32 s26, $0x1;
	_ =	strace $0x8000004C;
	[dreg:$0x1] =	wrdreg $0xFFFFFFFF  }
0xa7: {  	s28 =	simm.s32 $_size_execute0_lowered;
	s2 =	sadd.s32 s2, s4;
	[dreg:$0x0] =	wrdreg $0x0  }
0xa8: {  	s4 =	sshll.u32 s28, $0x1;
	[dreg:$0x2] =	wrdreg s2  }
0xa9: {  	[dreg:$0x3] =	wrdreg s4  }
0xaa: {  	[dreg:$0x4] =	wrdreg $0xC0  }
0xab: {  	_ =	task [dreg:s6], $0x5FFFF  }
0xac: {  	[dreg:$0x1] =	wrdreg $0xFFFFFFFF  }
0xad: {  	[dreg:$0x0] =	wrdreg $0x60  }
0xae: {  	[dreg:$0x2] =	wrdreg s24  }
0xaf: {  	[dreg:$0x3] =	wrdreg $0x28000  }
0xb0: {  	[dreg:$0x4] =	wrdreg $0x9  }
0xb1: {  	_ =	task.clear_ibuf [dreg:s6], $0x5FFFF;
	_ =	strace $0x9000004C  }
0xb2: {  	s29 =	simm.s32 $0x9;
	_ =	strace $0x8000004E  }
0xb3: {  	_ =	swait.ge [sflag:s29], $0x1  }
0xb4: {  	[sflag:s29] =	ssyncadd.s32 $0xFFFFFFFF  }
0xb5: {  	_ =	strace $0x9000004E  }
0xb6: {  	_ =	sfence  }
0xb7: {  	s30 =	sld [smem:$0x0];
	_ =	sdelay $0x2  }
0xb8: {  	s31 =	sshll.u32 s1, $0xD;
	s1 =	sshrl.u32 s1, $0x2  }
0xb9: {  	s3 =	sand.u32 $0x4000, s31;
	s1 =	sadd.s32 s1, s30  }
0xba: {  	s0 =	sor.u32 s3, s0;
	s1 =	sshll.u32 s1, $0x11  }
0xbb: {  	s0 =	sor.u32 s1, s0  }
0xbc: {  	s0 =	sadd.s32 $0x8F2B, s0  }
0xbd: {  	[sflag:s0] =	ssyncadd.remote.s32 $0x1  }
0xbe: {  	_ =	sfence.sel $0xFFFF  }
0xbf: {  	[dreg:$0x0] =	wrdreg $0xFFFFFFFF;
	(pc) =	sbr.abs _section_cstart, $3  }
0xc0: {  	[dreg:$0x1] =	wrdreg $0xFFFFFFFF  }
0xc1: {  	_ =	task.clear_ibuf [dreg:s6], $0x2FFFF;
	_ =	strace $0x9FFFFFFF  }
0xc2: {  	(tm) =	ssettm $0x7FFFFFFF  }
0xc3: {  	_ =	shalt  }
tec
execute0_lowered:
.L_overlay_start_1:
0x0: {  	(tag) =	ssettag $0x1  }
0x1: {  	s6 =	rddreg [dreg:$0x0]  }
0x2: {  	s1 =	rddreg [dreg:$0x1]  }
0x3: {  	s0 =	rddreg [dreg:$0x2];
	s3 =	simm.s32 $0x0;
	s2 =	srdreg.scid  }
0x4: {  	s16 =	simm.s32 $0x80;
	s17 =	simm.s32 $0x16400;
	s18 =	simm.s32 $0x1A400  }
0x5: {  	s19 =	simm.s32 $0x1;
	s20 =	simm.s32 $0x3;
	s21 =	simm.s32 $0x2  }
0x6: {  	s22 =	simm.s32 $0x4;
	s23 =	simm.s32 $0x2700;
	s24 =	simm.s32 $0x2780  }
0x7: {  	s25 =	simm.s32 $0x0;
	[smem:$0x7FF] =	sst s3;
	s7 =	sand.u32 $0x1, s2  }
0x8: {  	s2 =	stileid.u32;
	s4 =	sadd.s32 $0x18000, s6;
	s10 =	sadd.s32 $0x1800, s6  }
0x9: {  	s11 =	sadd.s32 $0xB800, s6;
	s5 =	sadd.s32 $0x15800, s6;
	s8 =	smul.u32 $0x13C000, s7  }
0xa: {  	_ =	strace $0x8000004D;
	s9 =	smul.u32 $0x13C00, s2;
	s26 =	sshll.u32 s7, $0x4  }
0xb: {  	s7 =	ssub.s32 $0x2, s7;
	s12 =	smul.u32 $0x4F000, s2;
	s29 =	sshll.u32 s2, $0x6  }
0xc: {  	s13 =	sshrl.u32 s7, $0x1;
	s8 =	sadd.s32 s9, s8;
	s9 =	sor.u32 s2, s26  }
0xd: {  	s13 =	ssub.s32 s7, s13;
	s28 =	sshrl.u32 s12, $0x2;
	s9 =	smul.u32 $0x2800, s9  }
0xe: {  	s8 =	sshrl.u32 s8, $0x3;
	s15 =	sadd.s32 s28, s1;
	s12 =	smax.u32 s13, $0x1  }
0xf: {  	s14 =	sadd.s32 s8, s6;
	s6 =	sor.u32 $0x1C05, s29;
	s30 =	sshrl.u32 s9, $0x3  }
0x10: {  	s13 =	sshrl.u32 s15, $0x3;
	s15 =	simm.s32 $0x1400;
	s31 =	sadd.s32 $0x280, s30  }
0x11: {  	s7 =	sadd.s32 s10, s30;
	s8 =	sadd.s32 s11, s30;
	s9 =	sadd.s32 s10, s31  }
0x12: {  	s10 =	sadd.s32 s11, s31;
	s11 =	sadd.s32 $0xB6800, s14;
	s14 =	simm.s32 $0x5  }
.LBB2_1:
0x13: {  	[spmem:s13], [sflag:s6] =	dma.local [hbm:s5], $0x2780  }
0x14: {  	_ =	swait.ge [sflag:s14], $0x2780  }
0x15: {  	[sflag:s14] =	ssyncset.done $0x0  }
0x16: {  	[sflag:s14] =	ssyncadd.s32 $0xFFFFD880  }
0x17: {  	[bflag:$0x0] =	sbarrier.arrive $0xFFFF  }
0x18: {  	[tilespmem:s3], [sflag:$0x5] =	stream.linear.gather [hbm4b:s7+s3], $0x1400, $0x38;
	[tilespmem:$0x1E400] =	vst v63  }
0x19: {  	_ =	swait.ge [sflag:s14], $0x1400  }
0x1a: {  	[sflag:s14] =	ssyncset.done $0x0  }
0x1b: {  	[sflag:s14] =	ssyncadd.s32 $0xFFFFEC00  }
0x1c: {  	[tilespmem:s15], [sflag:$0x5] =	stream.linear.gather [hbm4b:s8+s3], $0x1400, $0x38;
	[tilespmem:$0x1E400] =	vst v63  }
0x1d: {  	_ =	swait.ge [sflag:s14], $0x1400  }
0x1e: {  	[sflag:s14] =	ssyncset.done $0x0  }
0x1f: {  	[sflag:s14] =	ssyncadd.s32 $0xFFFFEC00  }
0x20: {  	[tilespmem:s17], [sflag:$0x1] =	stream.indirect.gather [hbm4b:s4+s16], $0x80, s3, s16, $0xb8;
	[tilespmem:$0x1E400] =	vst v63  }
0x21: {  	_ = 	snop  }
0x22: {  	[tilespmem:s18], [sflag:$0x2] =	stream.indirect.gather [hbm4b:s4+s16], $0x80, s16, s16, $0xb8;
	[tilespmem:$0x1E400] =	vst v63  }
0x23: {  	_ =	swait.ge [sflag:s19], $0x4000  }
0x24: {  	[sflag:s19] =	ssyncset.done $0x0  }
0x25: {  	s26 =	simm.s32 $0x1400;
	[sflag:s19] =	ssyncadd.s32 $0xFFFFC000  }
0x26: {  	[spmem:s1] =	stream.indirect.scatter.add.f32 [tilespmem:s17], [sflag:$0x3], $0x80, s26, s16, $0xb8;
	[tilespmem:$0x1E400] =	vst v63  }
0x27: {  	_ =	swait.ge [sflag:s20], $0x4000  }
0x28: {  	[sflag:s20] =	ssyncset.done $0x0  }
0x29: {  	s30 =	simm.s32 $0x100;
	[sflag:s20] =	ssyncadd.s32 $0xFFFFC000  }
0x2a: {  	[tilespmem:s17], [sflag:$0x1] =	stream.indirect.gather [hbm4b:s4+s16], $0x80, s30, s16, $0xb8;
	[tilespmem:$0x1E400] =	vst v63  }
0x2b: {  	_ =	swait.ge [sflag:s21], $0x4000  }
0x2c: {  	[sflag:s21] =	ssyncset.done $0x0  }
0x2d: {  	s31 =	simm.s32 $0x1480;
	[sflag:s21] =	ssyncadd.s32 $0xFFFFC000  }
0x2e: {  	[spmem:s1] =	stream.indirect.scatter.add.f32 [tilespmem:s18], [sflag:$0x4], $0x80, s31, s16, $0xb8;
	[tilespmem:$0x1E400] =	vst v63  }
0x2f: {  	_ =	swait.ge [sflag:s22], $0x4000  }
0x30: {  	[sflag:s22] =	ssyncset.done $0x0  }
0x31: {  	s28 =	simm.s32 $0x180;
	s26 =	simm.s32 $0x400;
	[sflag:s22] =	ssyncadd.s32 $0xFFFFC000  }
.LBB2_2:
0x32: {  	[tilespmem:s18], [sflag:$0x2] =	stream.indirect.gather [hbm4b:s4+s16], $0x80, s28, s16, $0xb8;
	[tilespmem:$0x1E400] =	vst v63  }
0x33: {  	s28 =	smov.u32 s26  }
0x34: {  	p0 =	sne.s32 s26, $0x4800;
	s26 =	sadd.s32 $0x400, s26;
	_ =	swait.ge [sflag:s19], $0x4000  }
0x35: {  	s28 =	sshra.s32 s28, $0x2;
	[sflag:s19] =	ssyncset.done $0x0  }
0x36: {  	s29 =	sadd.s32 $0x1400, s28;
	[sflag:s19] =	ssyncadd.s32 $0xFFFFC000  }
0x37: {  	[spmem:s1] =	stream.indirect.scatter.add.f32 [tilespmem:s17], [sflag:$0x3], $0x80, s29, s16, $0xb8;
	[tilespmem:$0x1E400] =	vst v63  }
0x38: {  	_ =	swait.ge [sflag:s20], $0x4000  }
0x39: {  	[sflag:s20] =	ssyncset.done $0x0  }
0x3a: {  	s29 =	sadd.s32 $0x100, s28;
	[sflag:s20] =	ssyncadd.s32 $0xFFFFC000  }
0x3b: {  	[tilespmem:s17], [sflag:$0x1] =	stream.indirect.gather [hbm4b:s4+s16], $0x80, s29, s16, $0xb8;
	[tilespmem:$0x1E400] =	vst v63  }
0x3c: {  	_ =	swait.ge [sflag:s21], $0x4000  }
0x3d: {  	[sflag:s21] =	ssyncset.done $0x0  }
.Ltmp0:
0x3e: {  	s29 =	sadd.s32 $0x1480, s28;
	[sflag:s21] =	ssyncadd.s32 $0xFFFFC000;
	(pc) =	sbr.rel @p0 .LBB2_2-.Ltmp0, $4  }
0x3f: {  	[spmem:s1] =	stream.indirect.scatter.add.f32 [tilespmem:s18], [sflag:$0x4], $0x80, s29, s16, $0xb8;
	[tilespmem:$0x1E400] =	vst v63  }
0x40: {  	_ =	swait.ge [sflag:s22], $0x4000  }
0x41: {  	[sflag:s22] =	ssyncset.done $0x0  }
0x42: {  	s28 =	sadd.s32 $0x180, s28;
	[sflag:s22] =	ssyncadd.s32 $0xFFFFC000  }
0x43: {  	[tilespmem:s18], [sflag:$0x2] =	stream.indirect.gather [hbm4b:s4+s16], $0x80, s28, s16, $0xb8;
	[tilespmem:$0x1E400] =	vst v63  }
0x44: {  	_ =	swait.ge [sflag:s19], $0x4000  }
0x45: {  	[sflag:s19] =	ssyncset.done $0x0  }
0x46: {  	[sflag:s19] =	ssyncadd.s32 $0xFFFFC000  }
0x47: {  	[spmem:s1] =	stream.indirect.scatter.add.f32 [tilespmem:s17], [sflag:$0x3], $0x80, s23, s16, $0xb8;
	[tilespmem:$0x1E400] =	vst v63  }
0x48: {  	_ =	swait.ge [sflag:s21], $0x4000  }
0x49: {  	[sflag:s21] =	ssyncset.done $0x0  }
0x4a: {  	[sflag:s21] =	ssyncadd.s32 $0xFFFFC000  }
0x4b: {  	[spmem:s1] =	stream.indirect.scatter.add.f32 [tilespmem:s18], [sflag:$0x4], $0x80, s24, s16, $0xb8;
	[tilespmem:$0x1E400] =	vst v63  }
0x4c: {  	_ =	swait.ge [sflag:s20], $0x4000  }
0x4d: {  	[sflag:s20] =	ssyncset.done $0x0  }
0x4e: {  	[sflag:s20] =	ssyncadd.s32 $0xFFFFC000  }
0x4f: {  	_ =	swait.ge [sflag:s22], $0x4000  }
0x50: {  	[sflag:s22] =	ssyncset.done $0x0  }
0x51: {  	s26 =	simm.s32 $0x0;
	[sflag:s22] =	ssyncadd.s32 $0xFFFFC000  }
0x52: {  	[tilespmem:s26], [sflag:$0x5] =	stream.linear.gather [hbm4b:s9+s26], $0x1400, $0x38;
	[tilespmem:$0x1E400] =	vst v63  }
0x53: {  	_ =	swait.ge [sflag:s14], $0x1400  }
0x54: {  	[sflag:s14] =	ssyncset.done $0x0  }
0x55: {  	[sflag:s14] =	ssyncadd.s32 $0xFFFFEC00  }
0x56: {  	[tilespmem:s15], [sflag:$0x5] =	stream.linear.gather [hbm4b:s10+s26], $0x1400, $0x38;
	[tilespmem:$0x1E400] =	vst v63  }
0x57: {  	_ =	swait.ge [sflag:s14], $0x1400  }
0x58: {  	[sflag:s14] =	ssyncset.done $0x0  }
0x59: {  	[sflag:s14] =	ssyncadd.s32 $0xFFFFEC00  }
0x5a: {  	[tilespmem:s17], [sflag:$0x1] =	stream.indirect.gather [hbm4b:s4+s16], $0x80, s26, s16, $0xb8;
	[tilespmem:$0x1E400] =	vst v63  }
0x5b: {  	_ = 	snop  }
0x5c: {  	[tilespmem:s18], [sflag:$0x2] =	stream.indirect.gather [hbm4b:s4+s16], $0x80, s16, s16, $0xb8;
	[tilespmem:$0x1E400] =	vst v63  }
0x5d: {  	_ =	swait.ge [sflag:s19], $0x4000  }
0x5e: {  	[sflag:s19] =	ssyncset.done $0x0  }
0x5f: {  	s29 =	simm.s32 $0x1400;
	[sflag:s19] =	ssyncadd.s32 $0xFFFFC000  }
0x60: {  	[spmem:s1] =	stream.indirect.scatter.add.f32 [tilespmem:s17], [sflag:$0x3], $0x80, s29, s16, $0xb8;
	[tilespmem:$0x1E400] =	vst v63  }
0x61: {  	_ =	swait.ge [sflag:s20], $0x4000  }
0x62: {  	[sflag:s20] =	ssyncset.done $0x0  }
0x63: {  	s30 =	simm.s32 $0x100;
	[sflag:s20] =	ssyncadd.s32 $0xFFFFC000  }
0x64: {  	[tilespmem:s17], [sflag:$0x1] =	stream.indirect.gather [hbm4b:s4+s16], $0x80, s30, s16, $0xb8;
	[tilespmem:$0x1E400] =	vst v63  }
0x65: {  	_ =	swait.ge [sflag:s21], $0x4000  }
0x66: {  	[sflag:s21] =	ssyncset.done $0x0  }
0x67: {  	s31 =	simm.s32 $0x1480;
	[sflag:s21] =	ssyncadd.s32 $0xFFFFC000  }
0x68: {  	[spmem:s1] =	stream.indirect.scatter.add.f32 [tilespmem:s18], [sflag:$0x4], $0x80, s31, s16, $0xb8;
	[tilespmem:$0x1E400] =	vst v63  }
0x69: {  	_ =	swait.ge [sflag:s22], $0x4000  }
0x6a: {  	[sflag:s22] =	ssyncset.done $0x0  }
0x6b: {  	s28 =	simm.s32 $0x180;
	s26 =	simm.s32 $0x400;
	[sflag:s22] =	ssyncadd.s32 $0xFFFFC000  }
.LBB2_4:
0x6c: {  	[tilespmem:s18], [sflag:$0x2] =	stream.indirect.gather [hbm4b:s4+s16], $0x80, s28, s16, $0xb8;
	[tilespmem:$0x1E400] =	vst v63  }
0x6d: {  	s28 =	smov.u32 s26  }
0x6e: {  	p0 =	sne.s32 s26, $0x4800;
	s26 =	sadd.s32 $0x400, s26;
	_ =	swait.ge [sflag:s19], $0x4000  }
0x6f: {  	s28 =	sshra.s32 s28, $0x2;
	[sflag:s19] =	ssyncset.done $0x0  }
0x70: {  	s29 =	sadd.s32 $0x1400, s28;
	[sflag:s19] =	ssyncadd.s32 $0xFFFFC000  }
0x71: {  	[spmem:s1] =	stream.indirect.scatter.add.f32 [tilespmem:s17], [sflag:$0x3], $0x80, s29, s16, $0xb8;
	[tilespmem:$0x1E400] =	vst v63  }
0x72: {  	_ =	swait.ge [sflag:s20], $0x4000  }
0x73: {  	[sflag:s20] =	ssyncset.done $0x0  }
0x74: {  	s29 =	sadd.s32 $0x100, s28;
	[sflag:s20] =	ssyncadd.s32 $0xFFFFC000  }
0x75: {  	[tilespmem:s17], [sflag:$0x1] =	stream.indirect.gather [hbm4b:s4+s16], $0x80, s29, s16, $0xb8;
	[tilespmem:$0x1E400] =	vst v63  }
0x76: {  	_ =	swait.ge [sflag:s21], $0x4000  }
0x77: {  	[sflag:s21] =	ssyncset.done $0x0  }
.Ltmp1:
0x78: {  	s29 =	sadd.s32 $0x1480, s28;
	[sflag:s21] =	ssyncadd.s32 $0xFFFFC000;
	(pc) =	sbr.rel @p0 .LBB2_4-.Ltmp1, $4  }
0x79: {  	[spmem:s1] =	stream.indirect.scatter.add.f32 [tilespmem:s18], [sflag:$0x4], $0x80, s29, s16, $0xb8;
	[tilespmem:$0x1E400] =	vst v63  }
0x7a: {  	_ =	swait.ge [sflag:s22], $0x4000  }
0x7b: {  	[sflag:s22] =	ssyncset.done $0x0  }
0x7c: {  	s28 =	sadd.s32 $0x180, s28;
	[sflag:s22] =	ssyncadd.s32 $0xFFFFC000  }
0x7d: {  	[tilespmem:s18], [sflag:$0x2] =	stream.indirect.gather [hbm4b:s4+s16], $0x80, s28, s16, $0xb8;
	[tilespmem:$0x1E400] =	vst v63  }
0x7e: {  	_ =	swait.ge [sflag:s19], $0x4000  }
0x7f: {  	[sflag:s19] =	ssyncset.done $0x0  }
0x80: {  	[sflag:s19] =	ssyncadd.s32 $0xFFFFC000  }
0x81: {  	[spmem:s1] =	stream.indirect.scatter.add.f32 [tilespmem:s17], [sflag:$0x3], $0x80, s23, s16, $0xb8;
	[tilespmem:$0x1E400] =	vst v63  }
0x82: {  	_ =	swait.ge [sflag:s21], $0x4000  }
0x83: {  	[sflag:s21] =	ssyncset.done $0x0  }
0x84: {  	[sflag:s21] =	ssyncadd.s32 $0xFFFFC000  }
0x85: {  	[spmem:s1] =	stream.indirect.scatter.add.f32 [tilespmem:s18], [sflag:$0x4], $0x80, s24, s16, $0xb8;
	[tilespmem:$0x1E400] =	vst v63  }
0x86: {  	_ =	swait.ge [sflag:s20], $0x4000  }
0x87: {  	[sflag:s20] =	ssyncset.done $0x0  }
0x88: {  	[sflag:s20] =	ssyncadd.s32 $0xFFFFC000  }
0x89: {  	_ =	swait.ge [sflag:s22], $0x4000  }
0x8a: {  	s25 =	sadd.s32 $0x1, s25;
	[sflag:s22] =	ssyncset.done $0x0  }
0x8b: {  	p0 =	sne.s32 s25, s12;
	[sflag:s22] =	ssyncadd.s32 $0xFFFFC000  }
.Ltmp2:
0x8c: {  	[bflag:$0x0] =	sbarrier.arrive $0xFFFF;
	(pc) =	sbr.rel @p0 .LBB2_1-.Ltmp2, $4  }
0x8d: {  	[hbm:s11], [sflag:s6] =	dma.local [spmem:s13], $0x2780  }
0x8e: {  	_ =	swait.ge [sflag:s14], $0x2780  }
0x8f: {  	[sflag:s14] =	ssyncset.done $0x0  }
0x90: {  	[sflag:s14] =	ssyncadd.s32 $0xFFFFD880  }
0x91: {  	_ =	sfence.sel $0x180000  }
0x92: {  	[bflag:$0x0] =	sbarrier.arrive $0xFFFF  }
0x93: {  	p0 =	sne.s32 s2, $0x0;
	_ =	strace $0x9000004D  }
0x94: {  	s0 =	sadd.s32 @!p0 $0x100000, s0;
	[bflag:$0x2] =	sbarrier.arrive $0xFFFF  }
0x95: {  	[sflag:s0] =	ssyncadd.tile.s32 @!p0 $0x1;
	_ =	shalt  }
.Lfunc_end2:
_tile_overlayer_lowered:
.L_overlay_start_2:
0x96: {  	(tag) =	ssettag $0x2  }
0x97: {  	s0 =	rddreg [dreg:$0x0];
	s2 =	stileid.u32  }
0x98: {  	s1 =	rddreg [dreg:$0x1];
	p0 =	sne.s32 s2, $0x0  }
0x99: {  	s3 =	rddreg [dreg:$0x2];
	[bflag:$0x3] =	sbarrier.arrive $0xFFFF;
	s2 =	simm.s32 @!p0 $0x1C05  }
0x9a: {  	[timem:s3], [sflag:s2] =	dma.local @!p0 [hbm:s0], s1  }
0x9b: {  	s0 =	simm.s32 @!p0 $0x5  }
0x9c: {  	_ =	swait.ge @!p0 [sflag:s0], s1  }
0x9d: {  	s1 =	ssub.s32 @!p0 $0x0, s1;
	[sflag:s0] =	ssyncset.done @!p0 $0x0  }
0x9e: {  	[sflag:s0] =	ssyncadd.s32 @!p0 s1  }
0x9f: {  	[bflag:$0x3] =	sbarrier.arrive $0xFFFF  }
0xa0: {  	_ =	shalt  }

// kernel: kernel.8.cloned.1.call-start
scs
__scs_entry_jumppad:
0x0: {  	(pc) =	sbr.rel $0x88, $3  }
0x1: {  	(tag) =	ssettag $0x0;
	lr =	simm.s32 $0x1  }
0x2: {  	[smem:$0x3F9B] =	sst lr;
	_ =	strace $0xD0000000  }
0x3: {  	_ = 	snop  }
0x4: {  	_ = 	snop  }
0x5: {  	_ = 	snop  }
0x6: {  	_ = 	snop  }
0x7: {  	_ = 	snop  }
__scs_overlays_trampoline_lowered:
0x8: {  	[smem:$0x3FAA] =	sst s0  }
0x9: {  	[smem:$0x3FAB] =	sst s1  }
0xa: {  	[smem:$0x3FAC] =	sst s2  }
0xb: {  	[smem:$0x3FAD] =	sst s3  }
0xc: {  	[smem:$0x3FAE] =	sst s4  }
0xd: {  	[smem:$0x3FAF] =	sst s5  }
0xe: {  	[smem:$0x3FB0] =	sst s6  }
0xf: {  	[smem:$0x3FB1] =	sst s7  }
0x10: {  	[smem:$0x3FB2] =	sst s8  }
0x11: {  	[smem:$0x3FB3] =	sst s9;
	s0 =	simm.s32 @!p0 $0x0  }
0x12: {  	s1 =	sld [smem:$0x3F99];
	s0 =	simm.s32 @p0 $0x1  }
0x13: {  	[smem:$0x3FB4] =	sst s0;
	s0 =	simm.s32 @!p1 $0x0  }
0x14: {  	s2 =	sld [smem:$0x3F98];
	s0 =	simm.s32 @p1 $0x1  }
0x15: {  	[smem:$0x3FB5] =	sst s0;
	s0 =	simm.s32 @!p2 $0x0  }
0x16: {  	s3 =	sld [smem:$0x3FDB];
	s0 =	simm.s32 @p2 $0x1  }
0x17: {  	s4 =	simm.s32 $0x1BF5;
	[smem:$0x3FB7] =	sst s0  }
0x18: {  	s0 =	sld [smem:$0x3F9A];
	_ =	swait.ge [sflag:s4], $0x0  }
0x19: {  	s7 =	sld [smem:$0x3F9B]  }
0x1a: {  	s8 =	sadd.s32 $0xFFFFE003, lr  }
0x1b: {  	s9 =	sadd.s32 $0xFFFFFEF7, lr;
	s5 =	simm.s32 $0xFFFFFFFF;
	p2 =	slt.u32 s8, $0xFFFFF086  }
0x1c: {  	p1 =	slt.u32 s9, $0xF7A;
	s5 =	simm.s32 @!p2 $0x0  }
0x1d: {  	s5 =	simm.s32 @p1 $0x1;
	p0 =	seq.s32 s7, s2  }
0x1e: {  	s7 =	smul.u32 @!p0 $0xF7A, s2;
	p2 =	seq.s32 @!p0 s5, $0x0  }
0x1f: {  	s9 =	smul.u32 $0xF7A, s1;
	s8 =	simm.s32 @!p0 $0x1BF5;
	p2 =	por !p2, p0  }
0x20: {  	[sflag:s8] =	ssyncset.s32 @!p0 $0xFFFFF086;
	s6 =	sadd.s32 @!p0 s3, s7;
	s7 =	simm.s32 @!p0 $0x108  }
0x21: {  	s3 =	sadd.s32 s3, s9;
	s6 =	sadd.s32 @!p0 $0x88, s6;
	s7 =	simm.s32 @p2 $0x1082  }
0x22: {  	[simem:s7], [sflag:s8] =	dma.local @!p0 [hbm:s6], $0xF7A  }
0x23: {  	s9 =	sor.u32 $0xD0000000, s2;
	s6 =	simm.s32 $0x108;
	_ =	swait.ge @!p0 [sflag:s8], $0x0  }
0x24: {  	s3 =	sadd.s32 $0x88, s3;
	s6 =	simm.s32 @!p1 $0x1082;
	[sflag:s4] =	ssyncset.s32 $0xFFFFF086  }
0x25: {  	[simem:s6], [sflag:s4] =	dma.local [hbm:s3], $0xF7A  }
0x26: {  	[smem:$0x3F9B] =	sst s1;
	(tag) =	ssettag s2;
	_ =	strace s9  }
0x27: {  	s1 =	sld [smem:$0x3FAB]  }
0x28: {  	s2 =	sld [smem:$0x3FAC]  }
0x29: {  	s4 =	sld [smem:$0x3FAE]  }
0x2a: {  	p0 =	seq.s32 s5, $0x0;
	s5 =	sld [smem:$0x3FAF]  }
0x2b: {  	s6 =	sld [smem:$0x3FB0]  }
0x2c: {  	s7 =	sld [smem:$0x3FB1]  }
0x2d: {  	s3 =	simm.s32 $0x108;
	s8 =	sld [smem:$0x3FB2]  }
0x2e: {  	s3 =	simm.s32 @!p0 $0x1082;
	s9 =	sld [smem:$0x3FB3]  }
0x2f: {  	lr =	sadd.s32 s0, s3;
	s0 =	sld [smem:$0x3FAA]  }
0x30: {  	s3 =	sld [smem:$0x3FAD]  }
0x31: {  	[smem:$0x3FB6] =	sst s10  }
0x32: {  	s10 =	sld [smem:$0x3FB4];
	_ =	sdelay $0x3  }
0x33: {  	p0 =	seq.s32 s10, $0x1;
	s10 =	sld [smem:$0x3FB6];
	_ =	sdelay $0x3  }
0x34: {  	[smem:$0x3FB6] =	sst s10  }
0x35: {  	s10 =	sld [smem:$0x3FB5];
	_ =	sdelay $0x3  }
0x36: {  	p1 =	seq.s32 s10, $0x1;
	s10 =	sld [smem:$0x3FB6];
	_ =	sdelay $0x3  }
0x37: {  	[smem:$0x3FB6] =	sst s10  }
0x38: {  	s10 =	sld [smem:$0x3FB7]  }
0x39: {  	_ = 	snop;
	(pc) =	sbr.ind lr, $3  }
0x3a: {  	_ = 	snop  }
0x3b: {  	_ = 	snop  }
0x3c: {  	p2 =	seq.s32 s10, $0x1;
	s10 =	sld [smem:$0x3FB6]  }
0x3d: {  	_ =	shalt  }
0x3e: {  	_ =	shalt  }
0x3f: {  	_ =	shalt  }
0x40: {  	_ =	shalt  }
0x41: {  	_ =	shalt  }
0x42: {  	_ =	shalt  }
0x43: {  	_ =	shalt  }
0x44: {  	_ =	shalt  }
0x45: {  	_ =	shalt  }
0x46: {  	_ =	shalt  }
0x47: {  	_ =	shalt  }
0x48: {  	_ =	shalt  }
0x49: {  	_ =	shalt  }
0x4a: {  	_ =	shalt  }
0x4b: {  	_ =	shalt  }
0x4c: {  	_ =	shalt  }
0x4d: {  	_ =	shalt  }
0x4e: {  	_ =	shalt  }
0x4f: {  	_ =	shalt  }
0x50: {  	_ =	shalt  }
0x51: {  	_ =	shalt  }
0x52: {  	_ =	shalt  }
0x53: {  	_ =	shalt  }
0x54: {  	_ =	shalt  }
0x55: {  	_ =	shalt  }
0x56: {  	_ =	shalt  }
0x57: {  	_ =	shalt  }
0x58: {  	_ =	shalt  }
0x59: {  	_ =	shalt  }
0x5a: {  	_ =	shalt  }
0x5b: {  	_ =	shalt  }
0x5c: {  	_ =	shalt  }
0x5d: {  	_ =	shalt  }
0x5e: {  	_ =	shalt  }
0x5f: {  	_ =	shalt  }
0x60: {  	_ =	shalt  }
0x61: {  	_ =	shalt  }
0x62: {  	_ =	shalt  }
0x63: {  	_ =	shalt  }
0x64: {  	_ =	shalt  }
0x65: {  	_ =	shalt  }
0x66: {  	_ =	shalt  }
0x67: {  	_ =	shalt  }
0x68: {  	_ =	shalt  }
0x69: {  	_ =	shalt  }
0x6a: {  	_ =	shalt  }
0x6b: {  	_ =	shalt  }
0x6c: {  	_ =	shalt  }
0x6d: {  	_ =	shalt  }
0x6e: {  	_ =	shalt  }
0x6f: {  	_ =	shalt  }
0x70: {  	_ =	shalt  }
0x71: {  	_ =	shalt  }
0x72: {  	_ =	shalt  }
0x73: {  	_ =	shalt  }
0x74: {  	_ =	shalt  }
0x75: {  	_ =	shalt  }
0x76: {  	_ =	shalt  }
0x77: {  	_ =	shalt  }
0x78: {  	_ =	shalt  }
0x79: {  	_ =	shalt  }
0x7a: {  	_ =	shalt  }
0x7b: {  	_ =	shalt  }
0x7c: {  	_ =	shalt  }
0x7d: {  	_ =	shalt  }
0x7e: {  	_ =	shalt  }
0x7f: {  	_ =	shalt  }
0x80: {  	_ =	shalt  }
0x81: {  	_ =	shalt  }
0x82: {  	_ =	shalt  }
0x83: {  	_ =	shalt  }
0x84: {  	_ =	shalt  }
0x85: {  	_ =	shalt  }
0x86: {  	_ =	shalt  }
0x87: {  	_ =	shalt  }
.Lfunc_end0:
.L_simem_size_0:
called_computation_lowered:
.L_overlay_start_0:
0x88: {  	s2 =	sld [smem:$0x3FD9]  }
0x89: {  	s3 =	sld [smem:$0x3FFE];
	_ =	sdelay $0x1  }
0x8a: {  	s1 =	srdreg.scid  }
0x8b: {  	s0 =	sand.u32 $0x1, s1  }
0x8c: {  	s17 =	sshll.u32 s0, $0xA;
	s2 =	sadd.s32 s3, s2  }
0x8d: {  	s2 =	sadd.s32 s2, s17  }
0x8e: {  	[smem:$0x3FC2] =	sst s2  }
0x8f: {  	_ = 	snop  }
0x90: {  	(tm) =	ssettm $0x1  }
0x91: {  	s18 =	sld [smem:$0x3FFB];
	_ =	sdelay $0x3  }
0x92: {  	_ =	strace s18  }
0x93: {  	s2 =	sld [smem:$0x3FFC];
	_ =	sdelay $0x3  }
0x94: {  	_ =	strace s2  }
0x95: {  	s2 =	sld [smem:$0x3FFD];
	_ =	sdelay $0x3  }
0x96: {  	_ =	strace s2  }
0x97: {  	_ =	strace $0x8FFFFFFF  }
0x98: {  	s19 =	sld [smem:$0x3FDB];
	_ =	sdelay $0x1  }
0x99: {  	s20 =	simm.s32 $_scs_section_size  }
0x9a: {  	s4 =	simm.s32 $_size__tile_overlayer_lowered;
	s5 =	simm.s32 $_tile_overlayer_lowered  }
0x9b: {  	s6 =	simm.s32 $0x1BFF;
	s21 =	sshll.u32 s5, $0x1;
	s3 =	sadd.s32 s20, s19  }
0x9c: {  	s22 =	simm.s32 $0x0;
	s4 =	sshll.u32 s4, $0x1;
	s5 =	sadd.s32 s21, s3  }
0x9d: {  	[timem:s22], [sflag:s6] =	dma.local [hbm:s5], s4  }
0x9e: {  	_ =	swait.ge [sflag:s6], s4  }
0x9f: {  	s4 =	ssub.s32 $0x0, s4;
	[sflag:s6] =	ssyncset.done $0x0  }
0xa0: {  	[sflag:s6] =	ssyncadd.s32 s4;
	_ =	sdelay $0x1  }
0xa1: {  	s23 =	simm.s32 $0x1B8B  }
0xa2: {  	_ =	swait.ge [sflag:s23], $0x1  }
0xa3: {  	[sflag:s23] =	ssyncset.done $0x0  }
0xa4: {  	[sflag:s23] =	ssyncadd.s32 $0xFFFFFFFF  }
0xa5: {  	s4 =	sld [smem:$0x0]  }
0xa6: {  	s5 =	sand.u32 $0xFFFFFFFE, s1  }
0xa7: {  	p0 =	sne.s32 s1, s5  }
0xa8: {  	s5 =	sshll.u32 @p0 s5, $0xE  }
0xa9: {  	s5 =	sadd.s32 @p0 $0x11B8D, s5;
	s6 =	sshll.u32 @p0 s4, $0x11  }
0xaa: {  	s5 =	sor.u32 @p0 s6, s5  }
0xab: {  	[sflag:s5] =	ssyncadd.remote.s32 @p0 $0x1;
	_ =	sdelay $0x1  }
0xac: {  	s5 =	simm.s32 @p0 $0x1B8D  }
0xad: {  	_ =	swait.eq @p0 [sflag:s5], $0x1  }
0xae: {  	[sflag:s5] =	ssyncadd.s32 @p0 $0xFFFFFFFF  }
0xaf: {  	s6 =	sshll.u32 @!p0 s1, $0xE  }
0xb0: {  	s6 =	sor.u32 @!p0 $0x4000, s6;
	s5 =	simm.s32 @!p0 $0x1B8D  }
0xb1: {  	s4 =	sshll.u32 @!p0 s4, $0x11;
	s6 =	sadd.s32 @!p0 $0x11B8D, s6;
	_ =	swait.eq @!p0 [sflag:s5], $0x1  }
0xb2: {  	s4 =	sor.u32 @!p0 s4, s6;
	[sflag:s5] =	ssyncadd.s32 @!p0 $0xFFFFFFFF  }
0xb3: {  	s25 =	simm.s32 $0x1B8E;
	s24 =	sld [smem:$0x3FFE];
	[sflag:s4] =	ssyncadd.remote.s32 @!p0 $0x1  }
0xb4: {  	s26 =	simm.s32 $execute0_lowered;
	[smem:$0x3FD2] =	sst s25  }
0xb5: {  	s5 =	sshll.u32 s26, $0x1;
	_ =	strace $0x80000049;
	[dreg:$0x1] =	wrdreg $0xFFFFFFFF  }
0xb6: {  	s28 =	simm.s32 $_size_execute0_lowered;
	s3 =	sadd.s32 s3, s5;
	[dreg:$0x0] =	wrdreg $0x0  }
0xb7: {  	s5 =	sshll.u32 s28, $0x1;
	[dreg:$0x2] =	wrdreg s3  }
0xb8: {  	[dreg:$0x3] =	wrdreg s5  }
0xb9: {  	[dreg:$0x4] =	wrdreg $0xC0  }
0xba: {  	_ =	task [dreg:s22], $0x5FFFF  }
0xbb: {  	[dreg:$0x1] =	wrdreg $0xFFFFFFFF  }
0xbc: {  	[dreg:$0x0] =	wrdreg $0x60  }
0xbd: {  	[dreg:$0x2] =	wrdreg s24  }
0xbe: {  	[dreg:$0x3] =	wrdreg $0x68000  }
0xbf: {  	[dreg:$0x4] =	wrdreg $0x9  }
0xc0: {  	_ =	task.clear_ibuf [dreg:s22], $0x5FFFF;
	_ =	strace $0x90000049  }
0xc1: {  	s29 =	simm.s32 $0x9;
	_ =	strace $0x8000004B  }
0xc2: {  	_ =	swait.ge [sflag:s29], $0x1  }
0xc3: {  	[sflag:s29] =	ssyncadd.s32 $0xFFFFFFFF  }
0xc4: {  	_ =	strace $0x9000004B  }
0xc5: {  	_ =	sfence  }
0xc6: {  	s30 =	sld [smem:$0x0];
	_ =	sdelay $0x2  }
0xc7: {  	s31 =	sshll.u32 s1, $0xD;
	s1 =	sshrl.u32 s1, $0x2  }
0xc8: {  	s4 =	sand.u32 $0x4000, s31;
	s1 =	sadd.s32 s1, s30  }
0xc9: {  	s0 =	sor.u32 s4, s0;
	s1 =	sshll.u32 s1, $0x11  }
0xca: {  	s0 =	sor.u32 s1, s0  }
0xcb: {  	s0 =	sadd.s32 $0x8F2B, s0  }
0xcc: {  	[sflag:s0] =	ssyncadd.remote.s32 $0x1  }
0xcd: {  	_ =	sfence.sel $0xFFFF  }
0xce: {  	[dreg:$0x0] =	wrdreg $0xFFFFFFFF;
	(pc) =	sbr.abs _section_cstart, $3  }
0xcf: {  	[dreg:$0x1] =	wrdreg $0xFFFFFFFF  }
0xd0: {  	_ =	task.clear_ibuf [dreg:s22], $0x2FFFF;
	_ =	strace $0x9FFFFFFF  }
0xd1: {  	(tm) =	ssettm $0x7FFFFFFF  }
tec
execute0_lowered:
.L_overlay_start_1:
0x0: {  	(tag) =	ssettag $0x1  }
0x1: {  	s7 =	rddreg [dreg:$0x0]  }
0x2: {  	s0 =	srdreg.scid;
	s2 =	rddreg [dreg:$0x1]  }
0x3: {  	s3 =	simm.s32 $0x0;
	s12 =	simm.s32 $0x2800;
	s6 =	sand.u32 $0x1, s0  }
0x4: {  	s13 =	simm.s32 $0x80;
	s0 =	stileid.u32;
	s5 =	smul.u32 $0x13C000, s6  }
0x5: {  	s14 =	simm.s32 $0x0;
	[smem:$0x7FF] =	sst s3;
	s8 =	smul.u32 $0x13C00, s0  }
0x6: {  	s1 =	sshll.u32 s6, $0x4;
	s10 =	smul.u32 $0x4F000, s0;
	s6 =	ssub.s32 $0x2, s6  }
0x7: {  	s31 =	sshll.u32 s0, $0x6;
	s1 =	sor.u32 s0, s1;
	s30 =	sshrl.u32 s6, $0x1  }
0x8: {  	s4 =	smul.u32 $0x500, s1;
	s1 =	rddreg [dreg:$0x2];
	_ =	strace $0x8000004A  }
0x9: {  	s8 =	sadd.s32 s8, s5;
	s5 =	sadd.s32 $0x67000, s7;
	s10 =	sshrl.u32 s10, $0x2  }
0xa: {  	s11 =	ssub.s32 s6, s30;
	s6 =	sor.u32 $0x1C01, s31;
	s8 =	sshrl.u32 s8, $0x3  }
0xb: {  	s10 =	sadd.s32 s10, s2;
	s9 =	sadd.s32 s4, s7;
	s4 =	sadd.s32 $0x15800, s7  }
0xc: {  	s8 =	sadd.s32 s8, s7;
	s10 =	sshrl.u32 s10, $0x3;
	s7 =	sadd.s32 $0xB800, s9  }
0xd: {  	s8 =	sadd.s32 $0x67800, s8;
	s9 =	smax.u32 s11, $0x1;
	s11 =	simm.s32 $0x1  }
.LBB2_1:
0xe: {  	[spmem:s10], [sflag:s6] =	dma.local [hbm:s4], $0x2780  }
0xf: {  	_ =	swait.ge [sflag:s11], $0x2780  }
0x10: {  	[sflag:s11] =	ssyncset.done $0x0  }
0x11: {  	[sflag:s11] =	ssyncadd.s32 $0xFFFFD880  }
0x12: {  	[tilespmem:s12], [sflag:$0x1] =	stream.linear.gather [hbm4b:s5+s3], $0x4000, $0x38;
	[tilespmem:$0x1A400] =	vst v63  }
0x13: {  	_ =	swait.ge [sflag:s11], $0x4000  }
0x14: {  	[sflag:s11] =	ssyncset.done $0x0  }
0x15: {  	[sflag:s11] =	ssyncadd.s32 $0xFFFFC000  }
0x16: {  	[tilespmem:s3], [sflag:$0x1] =	stream.linear.gather [hbm4b:s7+s3], $0x2800, $0x38;
	[tilespmem:$0x1A400] =	vst v63  }
0x17: {  	_ =	swait.ge [sflag:s11], $0x2800  }
0x18: {  	[sflag:s11] =	ssyncset.done $0x0  }
0x19: {  	[sflag:s11] =	ssyncadd.s32 $0xFFFFD800  }
0x1a: {  	s15 =	simm.s32 $0x0;
	[bflag:$0x0] =	sbarrier.arrive $0xFFFF  }
0x1b: {  	[spmem:s2] =	stream.indirect.scatter.add.f32 [tilespmem:s12], [sflag:$0x1], $0x80, s15, s13, $0xb8;
	[tilespmem:$0x1A400] =	vst v63  }
0x1c: {  	_ =	swait.ge [sflag:s11], $0x4000  }
0x1d: {  	s15 =	simm.s32 $0x200;
	[sflag:s11] =	ssyncset.done $0x0  }
.LBB2_2:
0x1e: {  	s16 =	sshra.s32 s15, $0x2;
	[sflag:s11] =	ssyncadd.s32 $0xFFFFC000;
	p0 =	sne.s32 s15, $0x9E00  }
0x1f: {  	[spmem:s2] =	stream.indirect.scatter.add.f32 [tilespmem:s12], [sflag:$0x1], $0x80, s16, s13, $0xb8;
	[tilespmem:$0x1A400] =	vst v63  }
.Ltmp0:
0x20: {  	_ = 	snop;
	(pc) =	sbr.rel @p0 .LBB2_2-.Ltmp0, $4  }
0x21: {  	_ = 	snop  }
0x22: {  	s15 =	sadd.s32 $0x200, s15  }
0x23: {  	_ =	swait.ge [sflag:s11], $0x4000  }
0x24: {  	[sflag:s11] =	ssyncset.done $0x0  }
0x25: {  	s14 =	sadd.s32 $0x1, s14  }
0x26: {  	[sflag:s11] =	ssyncadd.s32 $0xFFFFC000;
	p0 =	sne.s32 s14, s9  }
.Ltmp1:
0x27: {  	[bflag:$0x0] =	sbarrier.arrive $0xFFFF;
	(pc) =	sbr.rel @p0 .LBB2_1-.Ltmp1, $4  }
0x28: {  	[hbm:s8], [sflag:s6] =	dma.local [spmem:s10], $0x2780  }
0x29: {  	_ =	swait.ge [sflag:s11], $0x2780  }
0x2a: {  	[sflag:s11] =	ssyncset.done $0x0  }
0x2b: {  	[sflag:s11] =	ssyncadd.s32 $0xFFFFD880  }
0x2c: {  	_ =	sfence.sel $0x180000  }
0x2d: {  	[bflag:$0x0] =	sbarrier.arrive $0xFFFF  }
0x2e: {  	p0 =	sne.s32 s0, $0x0;
	_ =	strace $0x9000004A  }
0x2f: {  	s0 =	sadd.s32 @!p0 $0x100000, s1;
	[bflag:$0x2] =	sbarrier.arrive $0xFFFF  }
0x30: {  	[sflag:s0] =	ssyncadd.tile.s32 @!p0 $0x1;
	_ =	shalt  }
.Lfunc_end2:
_tile_overlayer_lowered:
.L_overlay_start_2:
0x31: {  	(tag) =	ssettag $0x2  }
0x32: {  	s0 =	rddreg [dreg:$0x0];
	s2 =	stileid.u32  }
0x33: {  	s1 =	rddreg [dreg:$0x1];
	p0 =	sne.s32 s2, $0x0  }
0x34: {  	s3 =	rddreg [dreg:$0x2];
	[bflag:$0x3] =	sbarrier.arrive $0xFFFF;
	s2 =	simm.s32 @!p0 $0x1C01  }
0x35: {  	[timem:s3], [sflag:s2] =	dma.local @!p0 [hbm:s0], s1  }
0x36: {  	s0 =	simm.s32 @!p0 $0x1  }
0x37: {  	_ =	swait.ge @!p0 [sflag:s0], s1  }
0x38: {  	s1 =	ssub.s32 @!p0 $0x0, s1;
	[sflag:s0] =	ssyncset.done @!p0 $0x0  }
0x39: {  	[sflag:s0] =	ssyncadd.s32 @!p0 s1  }
0x3a: {  	[bflag:$0x3] =	sbarrier.arrive $0xFFFF  }
0x3b: {  	_ =	shalt  }

</sc_bundles>
